<compile_context>
chip_gen: v7x
topology: tpu7x:2x2x1
jax: 0.10.2.dev20260603
libtpu: 0.0.44.dev20260713+nightly
codegen_flags: <defaults>
</compile_context>

<pallas_src>
import functools

import jax
import jax.numpy as jnp
from jax import lax
from jax.experimental import pallas as pl
from jax.experimental.pallas import tpu as pltpu
from jax.experimental.pallas import tpu_sc as plsc

BATCH = 16384
NCOLS = 13
TCOLS = 26
EMB = 32
OUTF = NCOLS + TCOLS

NC = 2
NS = 16
NW = NC * NS
CW = BATCH // NW



def _sc_body(table_hbm, idxT_hbm, out_hbm,
             idx_v, bufA, bufB, outA, outB,
             gsemA, gsemB, osemA, osemB):
    cid = lax.axis_index("c")
    sid = lax.axis_index("s")
    wid = sid * NC + cid
    base = wid * CW
    iota16 = lax.iota(jnp.int32, 16)
    iota16b = iota16 + 16

    pltpu.sync_copy(idxT_hbm.at[:, pl.ds(base, CW)], idx_v)

    def fire_gather(j, buf, sem):
        for kk in range(4):
            pltpu.async_copy(
                table_hbm.at[idx_v.at[j, pl.ds(kk * 128, 128)]],
                buf.at[pl.ds(kk * 128, 128)],
                sem,
            )

    def wait_gather(buf, sem):
        pltpu.make_async_copy(table_hbm.at[pl.ds(0, CW)], buf, sem).wait()

    ia0 = lax.shift_right_logical(iota16, 3)
    ir0 = iota16 & 7
    ia1 = lax.shift_right_logical(iota16b, 3)
    ir1 = iota16b & 7

    def transpose_relu(j, buf, outbuf):
        def rloop(r, _):
            cl = r
            c = jnp.full((16,), lax.shift_right_logical(cl, 7), jnp.int32)
            d = jnp.full((16,), cl & 127, jnp.int32)
            x0 = buf[r, pl.ds(0, 16)]
            plsc.store_scatter(
                outbuf, [ia0, c, ir0, d], jnp.maximum(x0, x0 * 0.2)
            )
            x1 = buf[r, pl.ds(16, 16)]
            plsc.store_scatter(
                outbuf, [ia1, c, ir1, d], jnp.maximum(x1, x1 * 0.2)
            )
            return 0

        lax.fori_loop(0, CW, rloop, 0)

    def fire_out(j, outbuf, sem):
        pltpu.async_copy(
            outbuf.at[:, pl.ds(0, 4), :, pl.ds(0, 128)],
            out_hbm.at[pl.ds(52 + 4 * j, 4), pl.ds(base // 128, 4), :, :],
            sem,
        )

    def wait_out(outbuf, sem):
        pltpu.make_async_copy(
            out_hbm.at[pl.ds(52, 4), pl.ds(0, 4), :, :],
            outbuf.at[:, pl.ds(0, 4), :, pl.ds(0, 128)],
            sem,
        ).wait()

    fire_gather(0, bufA, gsemA)
    fire_gather(1, bufB, gsemB)

    def pair(p, carry):
        j0 = 2 * p
        j1 = j0 + 1
        wait_gather(bufA, gsemA)

        @pl.when(p >= 1)
        def _():
            wait_out(outA, osemA)

        transpose_relu(j0, bufA, outA)
        fire_out(j0, outA, osemA)

        @pl.when(p <= (TCOLS // 2) - 2)
        def _():
            fire_gather(j0 + 2, bufA, gsemA)

        wait_gather(bufB, gsemB)

        @pl.when(p >= 1)
        def _():
            wait_out(outB, osemB)

        transpose_relu(j1, bufB, outB)
        fire_out(j1, outB, osemB)

        @pl.when(p <= (TCOLS // 2) - 2)
        def _():
            fire_gather(j1 + 2, bufB, gsemB)

        return carry

    lax.fori_loop(0, TCOLS // 2, pair, 0)
    wait_out(outA, osemA)
    wait_out(outB, osemB)


_sc_gather = functools.partial(
    pl.kernel,
    mesh=plsc.VectorSubcoreMesh(
        core_axis_name="c", subcore_axis_name="s", num_cores=NC, num_subcores=NS
    ),
    out_type=jax.ShapeDtypeStruct((OUTF * EMB // 8, BATCH // 128, 8, 128), jnp.float32),
    scratch_types=[
        pltpu.VMEM((TCOLS, CW), jnp.int32),
        pltpu.VMEM((CW, EMB), jnp.float32),
        pltpu.VMEM((CW, EMB), jnp.float32),
        pltpu.VMEM((4, 5, 8, 145), jnp.float32),
        pltpu.VMEM((4, 5, 8, 145), jnp.float32),
        pltpu.SemaphoreType.DMA,
        pltpu.SemaphoreType.DMA,
        pltpu.SemaphoreType.DMA,
        pltpu.SemaphoreType.DMA,
    ],
    compiler_params=pltpu.CompilerParams(
        use_tc_tiling_on_sc=False, needs_layout_passes=False
    ),
)(_sc_body)


BM = 2048


def _tc_body(x_ref, w_ref, b_ref, gath_ref, out_ref):
    del gath_ref
    acc = lax.dot_general(
        w_ref[...], x_ref[...], (((1,), (0,)), ((), ())),
        preferred_element_type=jnp.float32,
    )
    acc = acc + b_ref[...]
    out_ref[...] = jnp.maximum(acc, acc * 0.2)


def _tc_num(xT, W_num, b2, out2b):
    return pl.pallas_call(
        _tc_body,
        grid=(BATCH // BM,),
        in_specs=[
            pl.BlockSpec((NCOLS, BM), lambda i: (0, i)),
            pl.BlockSpec((NCOLS * EMB, NCOLS), lambda i: (0, 0)),
            pl.BlockSpec((NCOLS * EMB, 1), lambda i: (0, 0)),
            pl.BlockSpec(memory_space=pl.ANY),
        ],
        out_specs=pl.BlockSpec((NCOLS * EMB, BM), lambda i: (0, i)),
        out_shape=jax.ShapeDtypeStruct((OUTF * EMB, BATCH), jnp.float32),
        input_output_aliases={3: 0},
    )(xT, W_num, b2, out2b)


def kernel(num_data, text_data, W_num, b_num, table):
    idxT = text_data.astype(jnp.int32).T
    out4 = _sc_gather(table, idxT)
    out2b = out4.transpose(0, 2, 1, 3).reshape(OUTF * EMB, BATCH)
    out2b = _tc_num(num_data.T, W_num, b_num.reshape(NCOLS * EMB, 1), out2b)
    return out2b.reshape(OUTF, EMB, BATCH).transpose(2, 0, 1)

# --- scband reference (transcript-rebuilt; emitter-appended) ---
"""Pipeline reference for scband-embedding-layer-49297634623900 (READ-ONLY COPY).

The authoritative reference and input builder live on the scoring server;
editing this copy changes nothing except your own understanding.
"""

import jax, jax.numpy as jnp
import numpy as np

N_COUNT = 13
T_COUNT = 1000000
EMB = 32
BATCH = 16384
T_FIELDS = 26

def setup_inputs(seed: int = 0) -> dict:
    key = jax.random.key(seed)
    k1, k2, k3, k4, k5 = jax.random.split(key, 5)
    num_data = jax.random.normal(k1, (BATCH, N_COUNT), dtype=jnp.float32)
    text_data = jax.random.randint(k2, (BATCH, T_FIELDS), 0, T_COUNT, dtype=jnp.int64)
    # Linear(n_count -> n_count*embedded_size): weight (out, in), bias (out,)
    fan_in = N_COUNT
    gain = np.sqrt(2.0 / (1.0 + 0.2 ** 2))
    bound_w = gain * np.sqrt(3.0 / fan_in)
    W_num = jax.random.uniform(k3, (N_COUNT * EMB, N_COUNT), dtype=jnp.float32, minval=-bound_w, maxval=bound_w)
    bound_b = 1.0 / np.sqrt(fan_in)
    b_num = jax.random.uniform(k4, (N_COUNT * EMB,), dtype=jnp.float32, minval=-bound_b, maxval=bound_b)
    # Embedding table, kaiming_uniform_ with fan_in = embedded_size (last dim)
    bound_t = gain * np.sqrt(3.0 / EMB)
    table = jax.random.uniform(k5, (T_COUNT, EMB), dtype=jnp.float32, minval=-bound_t, maxval=bound_t)
    return {"num_data": num_data, "text_data": text_data, "W_num": W_num, "b_num": b_num, "table": table}

def leaky_relu(x, slope=0.2):
    return jnp.where(x >= 0, x, slope * x)

def reference(num_data, text_data, W_num, b_num, table):
    num_embedded = (num_data @ W_num.T + b_num).reshape(-1, N_COUNT, EMB)
    text_embedded = jnp.take(table, text_data, axis=0)
    embedded_data = jnp.concatenate((num_embedded, text_embedded), axis=1)
    return leaky_relu(embedded_data, 0.2)

if __name__ == "__main__":
    import jax
    _d = setup_inputs()
    print(jax.jit(kernel)(*tuple(_d.values())))

</pallas_src>

<mosaic_0001>
#map = affine_map<(d0, d1) -> (0, 0)>
#map1 = affine_map<(d0, d1) -> (0, 0, 0, 0)>
module attributes {stable_mosaic.version = 14 : i64} {
  func.func @_sc_body(%arg0: i32, %arg1: i32, %arg2: memref<1000000x32xf32, #tpu.memory_space<hbm>>, %arg3: memref<26x16384xi32, #tpu.memory_space<hbm>>, %arg4: memref<156x128x8x128xf32, #tpu.memory_space<hbm>>, %arg5: memref<26x512xi32, #tpu.memory_space<vmem>>, %arg6: memref<512x32xf32, #tpu.memory_space<vmem>>, %arg7: memref<512x32xf32, #tpu.memory_space<vmem>>, %arg8: memref<4x5x8x145xf32, #tpu.memory_space<vmem>>, %arg9: memref<4x5x8x145xf32, #tpu.memory_space<vmem>>, %arg10: memref<!tpu.dma_semaphore, #tpu.memory_space<semaphore_mem>>, %arg11: memref<!tpu.dma_semaphore, #tpu.memory_space<semaphore_mem>>, %arg12: memref<!tpu.dma_semaphore, #tpu.memory_space<semaphore_mem>>, %arg13: memref<!tpu.dma_semaphore, #tpu.memory_space<semaphore_mem>>) attributes {dimension_semantics = [#tpu.dimension_semantics<core_parallel>, #tpu.dimension_semantics<subcore_parallel>], iteration_bounds = array<i64: 2, 16>, scalar_prefetch = 0 : i64, scratch_operands = 9 : i64, tpu.core_type = #tpu.core_type<sc_vector_subcore>, window_params = [{transform_indices = #map}, {transform_indices = #map}, {transform_indices = #map1}]} {
    %mul3A = arith.constant 2 : i32
    %mul3A_0 = arith.muli %arg1, %mul3A : i32
    %add3A = arith.addi %mul3A_0, %arg0 : i32
    %mul3A_1 = arith.constant 512 : i32
    %mul3A_2 = arith.muli %add3A, %mul3A_1 : i32
    %iota3A = tpu.iota {dimensions = array<i32: 0>} : vector<16xi32>
    %add3A_3 = arith.constant 16 : i32
    %add3A_4 = vector.broadcast %add3A_3 : i32 to vector<16xi32>
    %add3A_5 = arith.addi %iota3A, %add3A_4 : vector<16xi32>
    "tpu.region"() ({
      %run_scoped3A = tpu.sem_alloc : memref<!tpu.dma_semaphore, #tpu.memory_space<semaphore_mem>>
      %dma_start3A_139 = arith.constant 0 : i32
      %dma_start3A_140 = tpu.memref_slice %arg3[%dma_start3A_139, %mul3A_2] : memref<26x16384xi32, #tpu.memory_space<hbm>> -> memref<26x512xi32, #tpu.memory_space<hbm>>
      %dma_start3A_141 = arith.constant 0 : i32
      %dma_start3A_142 = tpu.memref_slice %arg3[%dma_start3A_141, %mul3A_2] : memref<26x16384xi32, #tpu.memory_space<hbm>> -> memref<26x512xi32, #tpu.memory_space<hbm>>
      tpu.enqueue_dma source(%dma_start3A_142 : memref<26x512xi32, #tpu.memory_space<hbm>>) target(%arg5 : memref<26x512xi32, #tpu.memory_space<vmem>>) target_semaphore(%run_scoped3A : memref<!tpu.dma_semaphore, #tpu.memory_space<semaphore_mem>>)
      %dma_wait3A_143 = arith.constant 0 : i32
      %dma_wait3A_144 = tpu.memref_slice %arg3[%dma_wait3A_143, %mul3A_2] : memref<26x16384xi32, #tpu.memory_space<hbm>> -> memref<26x512xi32, #tpu.memory_space<hbm>>
      %dma_wait3A_145 = arith.constant 0 : i32
      %dma_wait3A_146 = tpu.memref_slice %arg3[%dma_wait3A_145, %mul3A_2] : memref<26x16384xi32, #tpu.memory_space<hbm>> -> memref<26x512xi32, #tpu.memory_space<hbm>>
      tpu.wait_dma2 semaphore(%run_scoped3A : memref<!tpu.dma_semaphore, #tpu.memory_space<semaphore_mem>>) src(%dma_wait3A_146 : memref<26x512xi32, #tpu.memory_space<hbm>>) dst(%arg5 : memref<26x512xi32, #tpu.memory_space<vmem>>)
      tpu.yield
    }) : () -> ()
    %shift_right_logical3A = arith.constant 3 : i32
    %shift_right_logical3A_6 = vector.broadcast %shift_right_logical3A : i32 to vector<16xi32>
    %shift_right_logical3A_7 = arith.shrui %iota3A, %shift_right_logical3A_6 : vector<16xi32>
    %and3A = arith.constant 7 : i32
    %and3A_8 = vector.broadcast %and3A : i32 to vector<16xi32>
    %and3A_9 = arith.andi %iota3A, %and3A_8 : vector<16xi32>
    %shift_right_logical3A_10 = arith.constant 3 : i32
    %shift_right_logical3A_11 = vector.broadcast %shift_right_logical3A_10 : i32 to vector<16xi32>
    %shift_right_logical3A_12 = arith.shrui %add3A_5, %shift_right_logical3A_11 : vector<16xi32>
    %and3A_13 = arith.constant 7 : i32
    %and3A_14 = vector.broadcast %and3A_13 : i32 to vector<16xi32>
    %and3A_15 = arith.andi %add3A_5, %and3A_14 : vector<16xi32>
    %dma_start3A = arith.constant 0 : i32
    %dma_start3A_16 = arith.constant 0 : i32
    %dma_start3A_17 = arith.constant 0 : i32
    %dma_start3A_18 = tpu.memref_slice %arg6[%dma_start3A_16, %dma_start3A_17] : memref<512x32xf32, #tpu.memory_space<vmem>> -> memref<128x32xf32, #tpu.memory_space<vmem>>
    %dma_start3A_19 = arith.constant 0 : i32
    %dma_start3A_20 = tpu.memref_slice %arg5[%dma_start3A, %dma_start3A_19] : memref<26x512xi32, #tpu.memory_space<vmem>> -> memref<1x128xi32, #tpu.memory_space<vmem>>
    %dma_start3A_21 = tpu.memref_squeeze %dma_start3A_20 : memref<1x128xi32, #tpu.memory_space<vmem>> -> memref<128xi32, #tpu.memory_space<vmem>>
    %dma_start3A_22 = arith.constant 0 : i32
    %dma_start3A_23 = arith.constant 0 : i32
    %dma_start3A_24 = tpu.memref_slice %arg2[%dma_start3A_22, %dma_start3A_23] : memref<1000000x32xf32, #tpu.memory_space<hbm>> -> memref<1000000x32xf32, #tpu.memory_space<hbm>>
    tpu.enqueue_indirect_dma source(%dma_start3A_24 : memref<1000000x32xf32, #tpu.memory_space<hbm>>) target(%dma_start3A_18 : memref<128x32xf32, #tpu.memory_space<vmem>>) offsets(%dma_start3A_21 : memref<128xi32, #tpu.memory_space<vmem>>) semaphore(%arg10 : memref<!tpu.dma_semaphore, #tpu.memory_space<semaphore_mem>>)
    %dma_start3A_25 = arith.constant 0 : i32
    %dma_start3A_26 = arith.constant 128 : i32
    %dma_start3A_27 = arith.constant 0 : i32
    %dma_start3A_28 = tpu.memref_slice %arg6[%dma_start3A_26, %dma_start3A_27] : memref<512x32xf32, #tpu.memory_space<vmem>> -> memref<128x32xf32, #tpu.memory_space<vmem>>
    %dma_start3A_29 = arith.constant 128 : i32
    %dma_start3A_30 = tpu.memref_slice %arg5[%dma_start3A_25, %dma_start3A_29] : memref<26x512xi32, #tpu.memory_space<vmem>> -> memref<1x128xi32, #tpu.memory_space<vmem>>
    %dma_start3A_31 = tpu.memref_squeeze %dma_start3A_30 : memref<1x128xi32, #tpu.memory_space<vmem>> -> memref<128xi32, #tpu.memory_space<vmem>>
    %dma_start3A_32 = arith.constant 0 : i32
    %dma_start3A_33 = arith.constant 0 : i32
    %dma_start3A_34 = tpu.memref_slice %arg2[%dma_start3A_32, %dma_start3A_33] : memref<1000000x32xf32, #tpu.memory_space<hbm>> -> memref<1000000x32xf32, #tpu.memory_space<hbm>>
    tpu.enqueue_indirect_dma source(%dma_start3A_34 : memref<1000000x32xf32, #tpu.memory_space<hbm>>) target(%dma_start3A_28 : memref<128x32xf32, #tpu.memory_space<vmem>>) offsets(%dma_start3A_31 : memref<128xi32, #tpu.memory_space<vmem>>) semaphore(%arg10 : memref<!tpu.dma_semaphore, #tpu.memory_space<semaphore_mem>>)
    %dma_start3A_35 = arith.constant 0 : i32
    %dma_start3A_36 = arith.constant 256 : i32
    %dma_start3A_37 = arith.constant 0 : i32
    %dma_start3A_38 = tpu.memref_slice %arg6[%dma_start3A_36, %dma_start3A_37] : memref<512x32xf32, #tpu.memory_space<vmem>> -> memref<128x32xf32, #tpu.memory_space<vmem>>
    %dma_start3A_39 = arith.constant 256 : i32
    %dma_start3A_40 = tpu.memref_slice %arg5[%dma_start3A_35, %dma_start3A_39] : memref<26x512xi32, #tpu.memory_space<vmem>> -> memref<1x128xi32, #tpu.memory_space<vmem>>
    %dma_start3A_41 = tpu.memref_squeeze %dma_start3A_40 : memref<1x128xi32, #tpu.memory_space<vmem>> -> memref<128xi32, #tpu.memory_space<vmem>>
    %dma_start3A_42 = arith.constant 0 : i32
    %dma_start3A_43 = arith.constant 0 : i32
    %dma_start3A_44 = tpu.memref_slice %arg2[%dma_start3A_42, %dma_start3A_43] : memref<1000000x32xf32, #tpu.memory_space<hbm>> -> memref<1000000x32xf32, #tpu.memory_space<hbm>>
    tpu.enqueue_indirect_dma source(%dma_start3A_44 : memref<1000000x32xf32, #tpu.memory_space<hbm>>) target(%dma_start3A_38 : memref<128x32xf32, #tpu.memory_space<vmem>>) offsets(%dma_start3A_41 : memref<128xi32, #tpu.memory_space<vmem>>) semaphore(%arg10 : memref<!tpu.dma_semaphore, #tpu.memory_space<semaphore_mem>>)
    %dma_start3A_45 = arith.constant 0 : i32
    %dma_start3A_46 = arith.constant 384 : i32
    %dma_start3A_47 = arith.constant 0 : i32
    %dma_start3A_48 = tpu.memref_slice %arg6[%dma_start3A_46, %dma_start3A_47] : memref<512x32xf32, #tpu.memory_space<vmem>> -> memref<128x32xf32, #tpu.memory_space<vmem>>
    %dma_start3A_49 = arith.constant 384 : i32
    %dma_start3A_50 = tpu.memref_slice %arg5[%dma_start3A_45, %dma_start3A_49] : memref<26x512xi32, #tpu.memory_space<vmem>> -> memref<1x128xi32, #tpu.memory_space<vmem>>
    %dma_start3A_51 = tpu.memref_squeeze %dma_start3A_50 : memref<1x128xi32, #tpu.memory_space<vmem>> -> memref<128xi32, #tpu.memory_space<vmem>>
    %dma_start3A_52 = arith.constant 0 : i32
    %dma_start3A_53 = arith.constant 0 : i32
    %dma_start3A_54 = tpu.memref_slice %arg2[%dma_start3A_52, %dma_start3A_53] : memref<1000000x32xf32, #tpu.memory_space<hbm>> -> memref<1000000x32xf32, #tpu.memory_space<hbm>>
    tpu.enqueue_indirect_dma source(%dma_start3A_54 : memref<1000000x32xf32, #tpu.memory_space<hbm>>) target(%dma_start3A_48 : memref<128x32xf32, #tpu.memory_space<vmem>>) offsets(%dma_start3A_51 : memref<128xi32, #tpu.memory_space<vmem>>) semaphore(%arg10 : memref<!tpu.dma_semaphore, #tpu.memory_space<semaphore_mem>>)
    %dma_start3A_55 = arith.constant 1 : i32
    %dma_start3A_56 = arith.constant 0 : i32
    %dma_start3A_57 = arith.constant 0 : i32
    %dma_start3A_58 = tpu.memref_slice %arg7[%dma_start3A_56, %dma_start3A_57] : memref<512x32xf32, #tpu.memory_space<vmem>> -> memref<128x32xf32, #tpu.memory_space<vmem>>
    %dma_start3A_59 = arith.constant 0 : i32
    %dma_start3A_60 = tpu.memref_slice %arg5[%dma_start3A_55, %dma_start3A_59] : memref<26x512xi32, #tpu.memory_space<vmem>> -> memref<1x128xi32, #tpu.memory_space<vmem>>
    %dma_start3A_61 = tpu.memref_squeeze %dma_start3A_60 : memref<1x128xi32, #tpu.memory_space<vmem>> -> memref<128xi32, #tpu.memory_space<vmem>>
    %dma_start3A_62 = arith.constant 0 : i32
    %dma_start3A_63 = arith.constant 0 : i32
    %dma_start3A_64 = tpu.memref_slice %arg2[%dma_start3A_62, %dma_start3A_63] : memref<1000000x32xf32, #tpu.memory_space<hbm>> -> memref<1000000x32xf32, #tpu.memory_space<hbm>>
    tpu.enqueue_indirect_dma source(%dma_start3A_64 : memref<1000000x32xf32, #tpu.memory_space<hbm>>) target(%dma_start3A_58 : memref<128x32xf32, #tpu.memory_space<vmem>>) offsets(%dma_start3A_61 : memref<128xi32, #tpu.memory_space<vmem>>) semaphore(%arg11 : memref<!tpu.dma_semaphore, #tpu.memory_space<semaphore_mem>>)
    %dma_start3A_65 = arith.constant 1 : i32
    %dma_start3A_66 = arith.constant 128 : i32
    %dma_start3A_67 = arith.constant 0 : i32
    %dma_start3A_68 = tpu.memref_slice %arg7[%dma_start3A_66, %dma_start3A_67] : memref<512x32xf32, #tpu.memory_space<vmem>> -> memref<128x32xf32, #tpu.memory_space<vmem>>
    %dma_start3A_69 = arith.constant 128 : i32
    %dma_start3A_70 = tpu.memref_slice %arg5[%dma_start3A_65, %dma_start3A_69] : memref<26x512xi32, #tpu.memory_space<vmem>> -> memref<1x128xi32, #tpu.memory_space<vmem>>
    %dma_start3A_71 = tpu.memref_squeeze %dma_start3A_70 : memref<1x128xi32, #tpu.memory_space<vmem>> -> memref<128xi32, #tpu.memory_space<vmem>>
    %dma_start3A_72 = arith.constant 0 : i32
    %dma_start3A_73 = arith.constant 0 : i32
    %dma_start3A_74 = tpu.memref_slice %arg2[%dma_start3A_72, %dma_start3A_73] : memref<1000000x32xf32, #tpu.memory_space<hbm>> -> memref<1000000x32xf32, #tpu.memory_space<hbm>>
    tpu.enqueue_indirect_dma source(%dma_start3A_74 : memref<1000000x32xf32, #tpu.memory_space<hbm>>) target(%dma_start3A_68 : memref<128x32xf32, #tpu.memory_space<vmem>>) offsets(%dma_start3A_71 : memref<128xi32, #tpu.memory_space<vmem>>) semaphore(%arg11 : memref<!tpu.dma_semaphore, #tpu.memory_space<semaphore_mem>>)
    %dma_start3A_75 = arith.constant 1 : i32
    %dma_start3A_76 = arith.constant 256 : i32
    %dma_start3A_77 = arith.constant 0 : i32
    %dma_start3A_78 = tpu.memref_slice %arg7[%dma_start3A_76, %dma_start3A_77] : memref<512x32xf32, #tpu.memory_space<vmem>> -> memref<128x32xf32, #tpu.memory_space<vmem>>
    %dma_start3A_79 = arith.constant 256 : i32
    %dma_start3A_80 = tpu.memref_slice %arg5[%dma_start3A_75, %dma_start3A_79] : memref<26x512xi32, #tpu.memory_space<vmem>> -> memref<1x128xi32, #tpu.memory_space<vmem>>
    %dma_start3A_81 = tpu.memref_squeeze %dma_start3A_80 : memref<1x128xi32, #tpu.memory_space<vmem>> -> memref<128xi32, #tpu.memory_space<vmem>>
    %dma_start3A_82 = arith.constant 0 : i32
    %dma_start3A_83 = arith.constant 0 : i32
    %dma_start3A_84 = tpu.memref_slice %arg2[%dma_start3A_82, %dma_start3A_83] : memref<1000000x32xf32, #tpu.memory_space<hbm>> -> memref<1000000x32xf32, #tpu.memory_space<hbm>>
    tpu.enqueue_indirect_dma source(%dma_start3A_84 : memref<1000000x32xf32, #tpu.memory_space<hbm>>) target(%dma_start3A_78 : memref<128x32xf32, #tpu.memory_space<vmem>>) offsets(%dma_start3A_81 : memref<128xi32, #tpu.memory_space<vmem>>) semaphore(%arg11 : memref<!tpu.dma_semaphore, #tpu.memory_space<semaphore_mem>>)
    %dma_start3A_85 = arith.constant 1 : i32
    %dma_start3A_86 = arith.constant 384 : i32
    %dma_start3A_87 = arith.constant 0 : i32
    %dma_start3A_88 = tpu.memref_slice %arg7[%dma_start3A_86, %dma_start3A_87] : memref<512x32xf32, #tpu.memory_space<vmem>> -> memref<128x32xf32, #tpu.memory_space<vmem>>
    %dma_start3A_89 = arith.constant 384 : i32
    %dma_start3A_90 = tpu.memref_slice %arg5[%dma_start3A_85, %dma_start3A_89] : memref<26x512xi32, #tpu.memory_space<vmem>> -> memref<1x128xi32, #tpu.memory_space<vmem>>
    %dma_start3A_91 = tpu.memref_squeeze %dma_start3A_90 : memref<1x128xi32, #tpu.memory_space<vmem>> -> memref<128xi32, #tpu.memory_space<vmem>>
    %dma_start3A_92 = arith.constant 0 : i32
    %dma_start3A_93 = arith.constant 0 : i32
    %dma_start3A_94 = tpu.memref_slice %arg2[%dma_start3A_92, %dma_start3A_93] : memref<1000000x32xf32, #tpu.memory_space<hbm>> -> memref<1000000x32xf32, #tpu.memory_space<hbm>>
    tpu.enqueue_indirect_dma source(%dma_start3A_94 : memref<1000000x32xf32, #tpu.memory_space<hbm>>) target(%dma_start3A_88 : memref<128x32xf32, #tpu.memory_space<vmem>>) offsets(%dma_start3A_91 : memref<128xi32, #tpu.memory_space<vmem>>) semaphore(%arg11 : memref<!tpu.dma_semaphore, #tpu.memory_space<semaphore_mem>>)
    %scan3A = arith.constant 0 : i32
    %scan3A_95 = arith.constant 0 : i32
    %scan3A_96 = arith.constant 13 : i32
    %scan3A_97 = arith.addi %scan3A_95, %scan3A_96 : i32
    %scan3A_98 = arith.constant 1 : i32
    scf.for %scan3A_139 = %scan3A_95 to %scan3A_97 step %scan3A_98  : i32 {
      %mul3A_140 = arith.constant 2 : i32
      %mul3A_141 = arith.muli %mul3A_140, %scan3A_139 : i32
      %add3A_142 = arith.constant 1 : i32
      %add3A_143 = arith.addi %mul3A_141, %add3A_142 : i32
      %dma_wait3A_144 = arith.constant 0 : i32
      %dma_wait3A_145 = arith.constant 0 : i32
      %dma_wait3A_146 = tpu.memref_slice %arg2[%dma_wait3A_144, %dma_wait3A_145] : memref<1000000x32xf32, #tpu.memory_space<hbm>> -> memref<512x32xf32, #tpu.memory_space<hbm>>
      %dma_wait3A_147 = arith.constant 0 : i32
      %dma_wait3A_148 = arith.constant 0 : i32
      %dma_wait3A_149 = tpu.memref_slice %arg2[%dma_wait3A_147, %dma_wait3A_148] : memref<1000000x32xf32, #tpu.memory_space<hbm>> -> memref<512x32xf32, #tpu.memory_space<hbm>>
      tpu.wait_dma2 semaphore(%arg10 : memref<!tpu.dma_semaphore, #tpu.memory_space<semaphore_mem>>) src(%dma_wait3A_149 : memref<512x32xf32, #tpu.memory_space<hbm>>) dst(%arg6 : memref<512x32xf32, #tpu.memory_space<vmem>>)
      %ge3A = arith.constant 1 : i32
      %ge3A_150 = arith.cmpi sge, %scan3A_139, %ge3A : i32
      %convert_element_type3A = arith.extui %ge3A_150 : i1 to i32
      %cond3A = arith.constant 0 : i32
      %cond3A_151 = arith.cmpi ne, %convert_element_type3A, %cond3A : i32
      scf.if %cond3A_151 {
        %dma_wait3A_267 = arith.constant 0 : i32
        %dma_wait3A_268 = arith.constant 0 : i32
        %dma_wait3A_269 = arith.constant 0 : i32
        %dma_wait3A_270 = arith.constant 0 : i32
        %dma_wait3A_271 = tpu.memref_slice %arg8[%dma_wait3A_267, %dma_wait3A_268, %dma_wait3A_269, %dma_wait3A_270] : memref<4x5x8x145xf32, #tpu.memory_space<vmem>> -> memref<4x4x8x128xf32, #tpu.memory_space<vmem>>
        %dma_wait3A_272 = arith.constant 52 : i32
        %dma_wait3A_273 = arith.constant 0 : i32
        %dma_wait3A_274 = arith.constant 0 : i32
        %dma_wait3A_275 = arith.constant 0 : i32
        %dma_wait3A_276 = tpu.memref_slice %arg4[%dma_wait3A_272, %dma_wait3A_273, %dma_wait3A_274, %dma_wait3A_275] : memref<156x128x8x128xf32, #tpu.memory_space<hbm>> -> memref<4x4x8x128xf32, #tpu.memory_space<hbm>>
        %dma_wait3A_277 = arith.constant 0 : i32
        %dma_wait3A_278 = arith.constant 0 : i32
        %dma_wait3A_279 = arith.constant 0 : i32
        %dma_wait3A_280 = arith.constant 0 : i32
        %dma_wait3A_281 = tpu.memref_slice %arg8[%dma_wait3A_277, %dma_wait3A_278, %dma_wait3A_279, %dma_wait3A_280] : memref<4x5x8x145xf32, #tpu.memory_space<vmem>> -> memref<4x4x8x128xf32, #tpu.memory_space<vmem>>
        %dma_wait3A_282 = arith.constant 52 : i32
        %dma_wait3A_283 = arith.constant 0 : i32
        %dma_wait3A_284 = arith.constant 0 : i32
        %dma_wait3A_285 = arith.constant 0 : i32
        %dma_wait3A_286 = tpu.memref_slice %arg4[%dma_wait3A_282, %dma_wait3A_283, %dma_wait3A_284, %dma_wait3A_285] : memref<156x128x8x128xf32, #tpu.memory_space<hbm>> -> memref<4x4x8x128xf32, #tpu.memory_space<hbm>>
        tpu.wait_dma2 semaphore(%arg12 : memref<!tpu.dma_semaphore, #tpu.memory_space<semaphore_mem>>) src(%dma_wait3A_286 : memref<4x4x8x128xf32, #tpu.memory_space<hbm>>) dst(%dma_wait3A_281 : memref<4x4x8x128xf32, #tpu.memory_space<vmem>>)
      } else {
      }
      %scan3A_152 = arith.constant 0 : i32
      %scan3A_153 = arith.constant 0 : i32
      %scan3A_154 = arith.constant 512 : i32
      %scan3A_155 = arith.addi %scan3A_153, %scan3A_154 : i32
      %scan3A_156 = arith.constant 1 : i32
      %scan3A_157 = scf.for %scan3A_267 = %scan3A_153 to %scan3A_155 step %scan3A_156 iter_args(%scan3A_268 = %scan3A_152) -> (i32)  : i32 {
        %shift_right_logical3A_269 = arith.constant 7 : i32
        %shift_right_logical3A_270 = arith.shrui %scan3A_267, %shift_right_logical3A_269 : i32
        %broadcast_in_dim3A = vector.broadcast %shift_right_logical3A_270 : i32 to vector<16xi32>
        %and3A_271 = arith.constant 127 : i32
        %and3A_272 = arith.andi %scan3A_267, %and3A_271 : i32
        %broadcast_in_dim3A_273 = vector.broadcast %and3A_272 : i32 to vector<16xi32>
        %get3A = arith.index_cast %scan3A_267 : i32 to index
        %get3A_274 = arith.constant 0 : index
        %get3A_275 = tpu.vector_load %arg6[%get3A, %get3A_274] {strides = array<i32>} : memref<512x32xf32, #tpu.memory_space<vmem>>, vector<16xf32>,
        %mul3A_276 = arith.constant 2.000000e-01 : f32
        %mul3A_277 = vector.broadcast %mul3A_276 : f32 to vector<16xf32>
        %mul3A_278 = arith.mulf %get3A_275, %mul3A_277 : vector<16xf32>
        %max3A = arith.maximumf %get3A_275, %mul3A_278 : vector<16xf32>
        tpu.vector_store_idx %arg8[%shift_right_logical3A_7, %broadcast_in_dim3A, %and3A_9, %broadcast_in_dim3A_273], %max3A : memref<4x5x8x145xf32, #tpu.memory_space<vmem>>[vector<16xi32>, vector<16xi32>, vector<16xi32>, vector<16xi32>], vector<16xf32>,
        %get3A_279 = arith.index_cast %scan3A_267 : i32 to index
        %get3A_280 = arith.constant 16 : index
        %get3A_281 = tpu.vector_load %arg6[%get3A_279, %get3A_280] {strides = array<i32>} : memref<512x32xf32, #tpu.memory_space<vmem>>, vector<16xf32>,
        %mul3A_282 = arith.constant 2.000000e-01 : f32
        %mul3A_283 = vector.broadcast %mul3A_282 : f32 to vector<16xf32>
        %mul3A_284 = arith.mulf %get3A_281, %mul3A_283 : vector<16xf32>
        %max3A_285 = arith.maximumf %get3A_281, %mul3A_284 : vector<16xf32>
        tpu.vector_store_idx %arg8[%shift_right_logical3A_12, %broadcast_in_dim3A, %and3A_15, %broadcast_in_dim3A_273], %max3A_285 : memref<4x5x8x145xf32, #tpu.memory_space<vmem>>[vector<16xi32>, vector<16xi32>, vector<16xi32>, vector<16xi32>], vector<16xf32>,
        %scan3A_286 = arith.constant 0 : i32
        scf.yield %scan3A_286 : i32
      }
      %scan3A_158 = arith.constant 512 : i32
      %mul3A_159 = arith.constant 4 : i32
      %mul3A_160 = arith.muli %mul3A_159, %mul3A_141 : i32
      %add3A_161 = arith.constant 52 : i32
      %add3A_162 = arith.addi %add3A_161, %mul3A_160 : i32
      %jit3A = arith.constant 128 : i32
      %div3A = arith.divsi %mul3A_2, %jit3A : i32
      %sign3A = arith.constant 0 : i32
      %sign3A_163 = arith.cmpi sgt, %mul3A_2, %sign3A : i32
      %sign3A_164 = arith.extui %sign3A_163 : i1 to i32
      %sign3A_165 = arith.constant 0 : i32
      %sign3A_166 = arith.cmpi slt, %mul3A_2, %sign3A_165 : i32
      %sign3A_167 = arith.extui %sign3A_166 : i1 to i32
      %sign3A_168 = arith.subi %sign3A_164, %sign3A_167 : i32
      %sign3A_169 = arith.constant 0 : i32
      %sign3A_170 = arith.cmpi sgt, %jit3A, %sign3A_169 : i32
      %sign3A_171 = arith.extui %sign3A_170 : i1 to i32
      %sign3A_172 = arith.constant 0 : i32
      %sign3A_173 = arith.cmpi slt, %jit3A, %sign3A_172 : i32
      %sign3A_174 = arith.extui %sign3A_173 : i1 to i32
      %sign3A_175 = arith.subi %sign3A_171, %sign3A_174 : i32
      %ne3A = arith.cmpi ne, %sign3A_168, %sign3A_175 : i32
      %rem3A = arith.remsi %mul3A_2, %jit3A : i32
      %ne3A_176 = arith.constant 0 : i32
      %ne3A_177 = arith.cmpi ne, %rem3A, %ne3A_176 : i32
      %and3A_178 = arith.andi %ne3A, %ne3A_177 : i1
      %sub3A = arith.constant 1 : i32
      %sub3A_179 = arith.subi %div3A, %sub3A : i32
      %select_n3A = arith.select %and3A_178, %sub3A_179, %div3A : i32
      %dma_start3A_180 = arith.constant 0 : i32
      %dma_start3A_181 = arith.constant 0 : i32
      %dma_start3A_182 = arith.constant 0 : i32
      %dma_start3A_183 = arith.constant 0 : i32
      %dma_start3A_184 = tpu.memref_slice %arg8[%dma_start3A_180, %dma_start3A_181, %dma_start3A_182, %dma_start3A_183] : memref<4x5x8x145xf32, #tpu.memory_space<vmem>> -> memref<4x4x8x128xf32, #tpu.memory_space<vmem>>
      %dma_start3A_185 = arith.constant 0 : i32
      %dma_start3A_186 = arith.constant 0 : i32
      %dma_start3A_187 = tpu.memref_slice %arg4[%add3A_162, %select_n3A, %dma_start3A_185, %dma_start3A_186] : memref<156x128x8x128xf32, #tpu.memory_space<hbm>> -> memref<4x4x8x128xf32, #tpu.memory_space<hbm>>
      %dma_start3A_188 = arith.constant 0 : i32
      %dma_start3A_189 = arith.constant 0 : i32
      %dma_start3A_190 = tpu.memref_slice %arg4[%add3A_162, %select_n3A, %dma_start3A_188, %dma_start3A_189] : memref<156x128x8x128xf32, #tpu.memory_space<hbm>> -> memref<4x4x8x128xf32, #tpu.memory_space<hbm>>
      %dma_start3A_191 = arith.constant 0 : i32
      %dma_start3A_192 = arith.constant 0 : i32
      %dma_start3A_193 = arith.constant 0 : i32
      %dma_start3A_194 = arith.constant 0 : i32
      %dma_start3A_195 = tpu.memref_slice %arg8[%dma_start3A_191, %dma_start3A_192, %dma_start3A_193, %dma_start3A_194] : memref<4x5x8x145xf32, #tpu.memory_space<vmem>> -> memref<4x4x8x128xf32, #tpu.memory_space<vmem>>
      tpu.enqueue_dma source(%dma_start3A_195 : memref<4x4x8x128xf32, #tpu.memory_space<vmem>>) target(%dma_start3A_190 : memref<4x4x8x128xf32, #tpu.memory_space<hbm>>) target_semaphore(%arg12 : memref<!tpu.dma_semaphore, #tpu.memory_space<semaphore_mem>>)
      %le3A = arith.constant 11 : i32
      %le3A_196 = arith.cmpi sle, %scan3A_139, %le3A : i32
      %convert_element_type3A_197 = arith.extui %le3A_196 : i1 to i32
      %cond3A_198 = arith.constant 0 : i32
      %cond3A_199 = arith.cmpi ne, %convert_element_type3A_197, %cond3A_198 : i32
      scf.if %cond3A_199 {
        %add3A_267 = arith.constant 2 : i32
        %add3A_268 = arith.addi %mul3A_141, %add3A_267 : i32
        %dma_start3A_269 = arith.constant 0 : i32
        %dma_start3A_270 = arith.constant 0 : i32
        %dma_start3A_271 = tpu.memref_slice %arg6[%dma_start3A_269, %dma_start3A_270] : memref<512x32xf32, #tpu.memory_space<vmem>> -> memref<128x32xf32, #tpu.memory_space<vmem>>
        %dma_start3A_272 = arith.constant 0 : i32
        %dma_start3A_273 = tpu.memref_slice %arg5[%add3A_268, %dma_start3A_272] : memref<26x512xi32, #tpu.memory_space<vmem>> -> memref<1x128xi32, #tpu.memory_space<vmem>>
        %dma_start3A_274 = tpu.memref_squeeze %dma_start3A_273 : memref<1x128xi32, #tpu.memory_space<vmem>> -> memref<128xi32, #tpu.memory_space<vmem>>
        %dma_start3A_275 = arith.constant 0 : i32
        %dma_start3A_276 = arith.constant 0 : i32
        %dma_start3A_277 = tpu.memref_slice %arg2[%dma_start3A_275, %dma_start3A_276] : memref<1000000x32xf32, #tpu.memory_space<hbm>> -> memref<1000000x32xf32, #tpu.memory_space<hbm>>
        tpu.enqueue_indirect_dma source(%dma_start3A_277 : memref<1000000x32xf32, #tpu.memory_space<hbm>>) target(%dma_start3A_271 : memref<128x32xf32, #tpu.memory_space<vmem>>) offsets(%dma_start3A_274 : memref<128xi32, #tpu.memory_space<vmem>>) semaphore(%arg10 : memref<!tpu.dma_semaphore, #tpu.memory_space<semaphore_mem>>)
        %dma_start3A_278 = arith.constant 128 : i32
        %dma_start3A_279 = arith.constant 0 : i32
        %dma_start3A_280 = tpu.memref_slice %arg6[%dma_start3A_278, %dma_start3A_279] : memref<512x32xf32, #tpu.memory_space<vmem>> -> memref<128x32xf32, #tpu.memory_space<vmem>>
        %dma_start3A_281 = arith.constant 128 : i32
        %dma_start3A_282 = tpu.memref_slice %arg5[%add3A_268, %dma_start3A_281] : memref<26x512xi32, #tpu.memory_space<vmem>> -> memref<1x128xi32, #tpu.memory_space<vmem>>
        %dma_start3A_283 = tpu.memref_squeeze %dma_start3A_282 : memref<1x128xi32, #tpu.memory_space<vmem>> -> memref<128xi32, #tpu.memory_space<vmem>>
        %dma_start3A_284 = arith.constant 0 : i32
        %dma_start3A_285 = arith.constant 0 : i32
        %dma_start3A_286 = tpu.memref_slice %arg2[%dma_start3A_284, %dma_start3A_285] : memref<1000000x32xf32, #tpu.memory_space<hbm>> -> memref<1000000x32xf32, #tpu.memory_space<hbm>>
        tpu.enqueue_indirect_dma source(%dma_start3A_286 : memref<1000000x32xf32, #tpu.memory_space<hbm>>) target(%dma_start3A_280 : memref<128x32xf32, #tpu.memory_space<vmem>>) offsets(%dma_start3A_283 : memref<128xi32, #tpu.memory_space<vmem>>) semaphore(%arg10 : memref<!tpu.dma_semaphore, #tpu.memory_space<semaphore_mem>>)
        %dma_start3A_287 = arith.constant 256 : i32
        %dma_start3A_288 = arith.constant 0 : i32
        %dma_start3A_289 = tpu.memref_slice %arg6[%dma_start3A_287, %dma_start3A_288] : memref<512x32xf32, #tpu.memory_space<vmem>> -> memref<128x32xf32, #tpu.memory_space<vmem>>
        %dma_start3A_290 = arith.constant 256 : i32
        %dma_start3A_291 = tpu.memref_slice %arg5[%add3A_268, %dma_start3A_290] : memref<26x512xi32, #tpu.memory_space<vmem>> -> memref<1x128xi32, #tpu.memory_space<vmem>>
        %dma_start3A_292 = tpu.memref_squeeze %dma_start3A_291 : memref<1x128xi32, #tpu.memory_space<vmem>> -> memref<128xi32, #tpu.memory_space<vmem>>
        %dma_start3A_293 = arith.constant 0 : i32
        %dma_start3A_294 = arith.constant 0 : i32
        %dma_start3A_295 = tpu.memref_slice %arg2[%dma_start3A_293, %dma_start3A_294] : memref<1000000x32xf32, #tpu.memory_space<hbm>> -> memref<1000000x32xf32, #tpu.memory_space<hbm>>
        tpu.enqueue_indirect_dma source(%dma_start3A_295 : memref<1000000x32xf32, #tpu.memory_space<hbm>>) target(%dma_start3A_289 : memref<128x32xf32, #tpu.memory_space<vmem>>) offsets(%dma_start3A_292 : memref<128xi32, #tpu.memory_space<vmem>>) semaphore(%arg10 : memref<!tpu.dma_semaphore, #tpu.memory_space<semaphore_mem>>)
        %dma_start3A_296 = arith.constant 384 : i32
        %dma_start3A_297 = arith.constant 0 : i32
        %dma_start3A_298 = tpu.memref_slice %arg6[%dma_start3A_296, %dma_start3A_297] : memref<512x32xf32, #tpu.memory_space<vmem>> -> memref<128x32xf32, #tpu.memory_space<vmem>>
        %dma_start3A_299 = arith.constant 384 : i32
        %dma_start3A_300 = tpu.memref_slice %arg5[%add3A_268, %dma_start3A_299] : memref<26x512xi32, #tpu.memory_space<vmem>> -> memref<1x128xi32, #tpu.memory_space<vmem>>
        %dma_start3A_301 = tpu.memref_squeeze %dma_start3A_300 : memref<1x128xi32, #tpu.memory_space<vmem>> -> memref<128xi32, #tpu.memory_space<vmem>>
        %dma_start3A_302 = arith.constant 0 : i32
        %dma_start3A_303 = arith.constant 0 : i32
        %dma_start3A_304 = tpu.memref_slice %arg2[%dma_start3A_302, %dma_start3A_303] : memref<1000000x32xf32, #tpu.memory_space<hbm>> -> memref<1000000x32xf32, #tpu.memory_space<hbm>>
        tpu.enqueue_indirect_dma source(%dma_start3A_304 : memref<1000000x32xf32, #tpu.memory_space<hbm>>) target(%dma_start3A_298 : memref<128x32xf32, #tpu.memory_space<vmem>>) offsets(%dma_start3A_301 : memref<128xi32, #tpu.memory_space<vmem>>) semaphore(%arg10 : memref<!tpu.dma_semaphore, #tpu.memory_space<semaphore_mem>>)
      } else {
      }
      %dma_wait3A_200 = arith.constant 0 : i32
      %dma_wait3A_201 = arith.constant 0 : i32
      %dma_wait3A_202 = tpu.memref_slice %arg2[%dma_wait3A_200, %dma_wait3A_201] : memref<1000000x32xf32, #tpu.memory_space<hbm>> -> memref<512x32xf32, #tpu.memory_space<hbm>>
      %dma_wait3A_203 = arith.constant 0 : i32
      %dma_wait3A_204 = arith.constant 0 : i32
      %dma_wait3A_205 = tpu.memref_slice %arg2[%dma_wait3A_203, %dma_wait3A_204] : memref<1000000x32xf32, #tpu.memory_space<hbm>> -> memref<512x32xf32, #tpu.memory_space<hbm>>
      tpu.wait_dma2 semaphore(%arg11 : memref<!tpu.dma_semaphore, #tpu.memory_space<semaphore_mem>>) src(%dma_wait3A_205 : memref<512x32xf32, #tpu.memory_space<hbm>>) dst(%arg7 : memref<512x32xf32, #tpu.memory_space<vmem>>)
      %ge3A_206 = arith.constant 1 : i32
      %ge3A_207 = arith.cmpi sge, %scan3A_139, %ge3A_206 : i32
      %convert_element_type3A_208 = arith.extui %ge3A_207 : i1 to i32
      %cond3A_209 = arith.constant 0 : i32
      %cond3A_210 = arith.cmpi ne, %convert_element_type3A_208, %cond3A_209 : i32
      scf.if %cond3A_210 {
        %dma_wait3A_267 = arith.constant 0 : i32
        %dma_wait3A_268 = arith.constant 0 : i32
        %dma_wait3A_269 = arith.constant 0 : i32
        %dma_wait3A_270 = arith.constant 0 : i32
        %dma_wait3A_271 = tpu.memref_slice %arg9[%dma_wait3A_267, %dma_wait3A_268, %dma_wait3A_269, %dma_wait3A_270] : memref<4x5x8x145xf32, #tpu.memory_space<vmem>> -> memref<4x4x8x128xf32, #tpu.memory_space<vmem>>
        %dma_wait3A_272 = arith.constant 52 : i32
        %dma_wait3A_273 = arith.constant 0 : i32
        %dma_wait3A_274 = arith.constant 0 : i32
        %dma_wait3A_275 = arith.constant 0 : i32
        %dma_wait3A_276 = tpu.memref_slice %arg4[%dma_wait3A_272, %dma_wait3A_273, %dma_wait3A_274, %dma_wait3A_275] : memref<156x128x8x128xf32, #tpu.memory_space<hbm>> -> memref<4x4x8x128xf32, #tpu.memory_space<hbm>>
        %dma_wait3A_277 = arith.constant 0 : i32
        %dma_wait3A_278 = arith.constant 0 : i32
        %dma_wait3A_279 = arith.constant 0 : i32
        %dma_wait3A_280 = arith.constant 0 : i32
        %dma_wait3A_281 = tpu.memref_slice %arg9[%dma_wait3A_277, %dma_wait3A_278, %dma_wait3A_279, %dma_wait3A_280] : memref<4x5x8x145xf32, #tpu.memory_space<vmem>> -> memref<4x4x8x128xf32, #tpu.memory_space<vmem>>
        %dma_wait3A_282 = arith.constant 52 : i32
        %dma_wait3A_283 = arith.constant 0 : i32
        %dma_wait3A_284 = arith.constant 0 : i32
        %dma_wait3A_285 = arith.constant 0 : i32
        %dma_wait3A_286 = tpu.memref_slice %arg4[%dma_wait3A_282, %dma_wait3A_283, %dma_wait3A_284, %dma_wait3A_285] : memref<156x128x8x128xf32, #tpu.memory_space<hbm>> -> memref<4x4x8x128xf32, #tpu.memory_space<hbm>>
        tpu.wait_dma2 semaphore(%arg13 : memref<!tpu.dma_semaphore, #tpu.memory_space<semaphore_mem>>) src(%dma_wait3A_286 : memref<4x4x8x128xf32, #tpu.memory_space<hbm>>) dst(%dma_wait3A_281 : memref<4x4x8x128xf32, #tpu.memory_space<vmem>>)
      } else {
      }
      %scan3A_211 = arith.constant 0 : i32
      %scan3A_212 = arith.constant 0 : i32
      %scan3A_213 = arith.constant 512 : i32
      %scan3A_214 = arith.addi %scan3A_212, %scan3A_213 : i32
      %scan3A_215 = arith.constant 1 : i32
      %scan3A_216 = scf.for %scan3A_267 = %scan3A_212 to %scan3A_214 step %scan3A_215 iter_args(%scan3A_268 = %scan3A_211) -> (i32)  : i32 {
        %shift_right_logical3A_269 = arith.constant 7 : i32
        %shift_right_logical3A_270 = arith.shrui %scan3A_267, %shift_right_logical3A_269 : i32
        %broadcast_in_dim3A = vector.broadcast %shift_right_logical3A_270 : i32 to vector<16xi32>
        %and3A_271 = arith.constant 127 : i32
        %and3A_272 = arith.andi %scan3A_267, %and3A_271 : i32
        %broadcast_in_dim3A_273 = vector.broadcast %and3A_272 : i32 to vector<16xi32>
        %get3A = arith.index_cast %scan3A_267 : i32 to index
        %get3A_274 = arith.constant 0 : index
        %get3A_275 = tpu.vector_load %arg7[%get3A, %get3A_274] {strides = array<i32>} : memref<512x32xf32, #tpu.memory_space<vmem>>, vector<16xf32>,
        %mul3A_276 = arith.constant 2.000000e-01 : f32
        %mul3A_277 = vector.broadcast %mul3A_276 : f32 to vector<16xf32>
        %mul3A_278 = arith.mulf %get3A_275, %mul3A_277 : vector<16xf32>
        %max3A = arith.maximumf %get3A_275, %mul3A_278 : vector<16xf32>
        tpu.vector_store_idx %arg9[%shift_right_logical3A_7, %broadcast_in_dim3A, %and3A_9, %broadcast_in_dim3A_273], %max3A : memref<4x5x8x145xf32, #tpu.memory_space<vmem>>[vector<16xi32>, vector<16xi32>, vector<16xi32>, vector<16xi32>], vector<16xf32>,
        %get3A_279 = arith.index_cast %scan3A_267 : i32 to index
        %get3A_280 = arith.constant 16 : index
        %get3A_281 = tpu.vector_load %arg7[%get3A_279, %get3A_280] {strides = array<i32>} : memref<512x32xf32, #tpu.memory_space<vmem>>, vector<16xf32>,
        %mul3A_282 = arith.constant 2.000000e-01 : f32
        %mul3A_283 = vector.broadcast %mul3A_282 : f32 to vector<16xf32>
        %mul3A_284 = arith.mulf %get3A_281, %mul3A_283 : vector<16xf32>
        %max3A_285 = arith.maximumf %get3A_281, %mul3A_284 : vector<16xf32>
        tpu.vector_store_idx %arg9[%shift_right_logical3A_12, %broadcast_in_dim3A, %and3A_15, %broadcast_in_dim3A_273], %max3A_285 : memref<4x5x8x145xf32, #tpu.memory_space<vmem>>[vector<16xi32>, vector<16xi32>, vector<16xi32>, vector<16xi32>], vector<16xf32>,
        %scan3A_286 = arith.constant 0 : i32
        scf.yield %scan3A_286 : i32
      }
      %scan3A_217 = arith.constant 512 : i32
      %mul3A_218 = arith.constant 4 : i32
      %mul3A_219 = arith.muli %mul3A_218, %add3A_143 : i32
      %add3A_220 = arith.constant 52 : i32
      %add3A_221 = arith.addi %add3A_220, %mul3A_219 : i32
      %jit3A_222 = arith.constant 128 : i32
      %div3A_223 = arith.divsi %mul3A_2, %jit3A_222 : i32
      %sign3A_224 = arith.constant 0 : i32
      %sign3A_225 = arith.cmpi sgt, %mul3A_2, %sign3A_224 : i32
      %sign3A_226 = arith.extui %sign3A_225 : i1 to i32
      %sign3A_227 = arith.constant 0 : i32
      %sign3A_228 = arith.cmpi slt, %mul3A_2, %sign3A_227 : i32
      %sign3A_229 = arith.extui %sign3A_228 : i1 to i32
      %sign3A_230 = arith.subi %sign3A_226, %sign3A_229 : i32
      %sign3A_231 = arith.constant 0 : i32
      %sign3A_232 = arith.cmpi sgt, %jit3A_222, %sign3A_231 : i32
      %sign3A_233 = arith.extui %sign3A_232 : i1 to i32
      %sign3A_234 = arith.constant 0 : i32
      %sign3A_235 = arith.cmpi slt, %jit3A_222, %sign3A_234 : i32
      %sign3A_236 = arith.extui %sign3A_235 : i1 to i32
      %sign3A_237 = arith.subi %sign3A_233, %sign3A_236 : i32
      %ne3A_238 = arith.cmpi ne, %sign3A_230, %sign3A_237 : i32
      %rem3A_239 = arith.remsi %mul3A_2, %jit3A_222 : i32
      %ne3A_240 = arith.constant 0 : i32
      %ne3A_241 = arith.cmpi ne, %rem3A_239, %ne3A_240 : i32
      %and3A_242 = arith.andi %ne3A_238, %ne3A_241 : i1
      %sub3A_243 = arith.constant 1 : i32
      %sub3A_244 = arith.subi %div3A_223, %sub3A_243 : i32
      %select_n3A_245 = arith.select %and3A_242, %sub3A_244, %div3A_223 : i32
      %dma_start3A_246 = arith.constant 0 : i32
      %dma_start3A_247 = arith.constant 0 : i32
      %dma_start3A_248 = arith.constant 0 : i32
      %dma_start3A_249 = arith.constant 0 : i32
      %dma_start3A_250 = tpu.memref_slice %arg9[%dma_start3A_246, %dma_start3A_247, %dma_start3A_248, %dma_start3A_249] : memref<4x5x8x145xf32, #tpu.memory_space<vmem>> -> memref<4x4x8x128xf32, #tpu.memory_space<vmem>>
      %dma_start3A_251 = arith.constant 0 : i32
      %dma_start3A_252 = arith.constant 0 : i32
      %dma_start3A_253 = tpu.memref_slice %arg4[%add3A_221, %select_n3A_245, %dma_start3A_251, %dma_start3A_252] : memref<156x128x8x128xf32, #tpu.memory_space<hbm>> -> memref<4x4x8x128xf32, #tpu.memory_space<hbm>>
      %dma_start3A_254 = arith.constant 0 : i32
      %dma_start3A_255 = arith.constant 0 : i32
      %dma_start3A_256 = tpu.memref_slice %arg4[%add3A_221, %select_n3A_245, %dma_start3A_254, %dma_start3A_255] : memref<156x128x8x128xf32, #tpu.memory_space<hbm>> -> memref<4x4x8x128xf32, #tpu.memory_space<hbm>>
      %dma_start3A_257 = arith.constant 0 : i32
      %dma_start3A_258 = arith.constant 0 : i32
      %dma_start3A_259 = arith.constant 0 : i32
      %dma_start3A_260 = arith.constant 0 : i32
      %dma_start3A_261 = tpu.memref_slice %arg9[%dma_start3A_257, %dma_start3A_258, %dma_start3A_259, %dma_start3A_260] : memref<4x5x8x145xf32, #tpu.memory_space<vmem>> -> memref<4x4x8x128xf32, #tpu.memory_space<vmem>>
      tpu.enqueue_dma source(%dma_start3A_261 : memref<4x4x8x128xf32, #tpu.memory_space<vmem>>) target(%dma_start3A_256 : memref<4x4x8x128xf32, #tpu.memory_space<hbm>>) target_semaphore(%arg13 : memref<!tpu.dma_semaphore, #tpu.memory_space<semaphore_mem>>)
      %le3A_262 = arith.constant 11 : i32
      %le3A_263 = arith.cmpi sle, %scan3A_139, %le3A_262 : i32
      %convert_element_type3A_264 = arith.extui %le3A_263 : i1 to i32
      %cond3A_265 = arith.constant 0 : i32
      %cond3A_266 = arith.cmpi ne, %convert_element_type3A_264, %cond3A_265 : i32
      scf.if %cond3A_266 {
        %add3A_267 = arith.constant 2 : i32
        %add3A_268 = arith.addi %add3A_143, %add3A_267 : i32
        %dma_start3A_269 = arith.constant 0 : i32
        %dma_start3A_270 = arith.constant 0 : i32
        %dma_start3A_271 = tpu.memref_slice %arg7[%dma_start3A_269, %dma_start3A_270] : memref<512x32xf32, #tpu.memory_space<vmem>> -> memref<128x32xf32, #tpu.memory_space<vmem>>
        %dma_start3A_272 = arith.constant 0 : i32
        %dma_start3A_273 = tpu.memref_slice %arg5[%add3A_268, %dma_start3A_272] : memref<26x512xi32, #tpu.memory_space<vmem>> -> memref<1x128xi32, #tpu.memory_space<vmem>>
        %dma_start3A_274 = tpu.memref_squeeze %dma_start3A_273 : memref<1x128xi32, #tpu.memory_space<vmem>> -> memref<128xi32, #tpu.memory_space<vmem>>
        %dma_start3A_275 = arith.constant 0 : i32
        %dma_start3A_276 = arith.constant 0 : i32
        %dma_start3A_277 = tpu.memref_slice %arg2[%dma_start3A_275, %dma_start3A_276] : memref<1000000x32xf32, #tpu.memory_space<hbm>> -> memref<1000000x32xf32, #tpu.memory_space<hbm>>
        tpu.enqueue_indirect_dma source(%dma_start3A_277 : memref<1000000x32xf32, #tpu.memory_space<hbm>>) target(%dma_start3A_271 : memref<128x32xf32, #tpu.memory_space<vmem>>) offsets(%dma_start3A_274 : memref<128xi32, #tpu.memory_space<vmem>>) semaphore(%arg11 : memref<!tpu.dma_semaphore, #tpu.memory_space<semaphore_mem>>)
        %dma_start3A_278 = arith.constant 128 : i32
        %dma_start3A_279 = arith.constant 0 : i32
        %dma_start3A_280 = tpu.memref_slice %arg7[%dma_start3A_278, %dma_start3A_279] : memref<512x32xf32, #tpu.memory_space<vmem>> -> memref<128x32xf32, #tpu.memory_space<vmem>>
        %dma_start3A_281 = arith.constant 128 : i32
        %dma_start3A_282 = tpu.memref_slice %arg5[%add3A_268, %dma_start3A_281] : memref<26x512xi32, #tpu.memory_space<vmem>> -> memref<1x128xi32, #tpu.memory_space<vmem>>
        %dma_start3A_283 = tpu.memref_squeeze %dma_start3A_282 : memref<1x128xi32, #tpu.memory_space<vmem>> -> memref<128xi32, #tpu.memory_space<vmem>>
        %dma_start3A_284 = arith.constant 0 : i32
        %dma_start3A_285 = arith.constant 0 : i32
        %dma_start3A_286 = tpu.memref_slice %arg2[%dma_start3A_284, %dma_start3A_285] : memref<1000000x32xf32, #tpu.memory_space<hbm>> -> memref<1000000x32xf32, #tpu.memory_space<hbm>>
        tpu.enqueue_indirect_dma source(%dma_start3A_286 : memref<1000000x32xf32, #tpu.memory_space<hbm>>) target(%dma_start3A_280 : memref<128x32xf32, #tpu.memory_space<vmem>>) offsets(%dma_start3A_283 : memref<128xi32, #tpu.memory_space<vmem>>) semaphore(%arg11 : memref<!tpu.dma_semaphore, #tpu.memory_space<semaphore_mem>>)
        %dma_start3A_287 = arith.constant 256 : i32
        %dma_start3A_288 = arith.constant 0 : i32
        %dma_start3A_289 = tpu.memref_slice %arg7[%dma_start3A_287, %dma_start3A_288] : memref<512x32xf32, #tpu.memory_space<vmem>> -> memref<128x32xf32, #tpu.memory_space<vmem>>
        %dma_start3A_290 = arith.constant 256 : i32
        %dma_start3A_291 = tpu.memref_slice %arg5[%add3A_268, %dma_start3A_290] : memref<26x512xi32, #tpu.memory_space<vmem>> -> memref<1x128xi32, #tpu.memory_space<vmem>>
        %dma_start3A_292 = tpu.memref_squeeze %dma_start3A_291 : memref<1x128xi32, #tpu.memory_space<vmem>> -> memref<128xi32, #tpu.memory_space<vmem>>
        %dma_start3A_293 = arith.constant 0 : i32
        %dma_start3A_294 = arith.constant 0 : i32
        %dma_start3A_295 = tpu.memref_slice %arg2[%dma_start3A_293, %dma_start3A_294] : memref<1000000x32xf32, #tpu.memory_space<hbm>> -> memref<1000000x32xf32, #tpu.memory_space<hbm>>
        tpu.enqueue_indirect_dma source(%dma_start3A_295 : memref<1000000x32xf32, #tpu.memory_space<hbm>>) target(%dma_start3A_289 : memref<128x32xf32, #tpu.memory_space<vmem>>) offsets(%dma_start3A_292 : memref<128xi32, #tpu.memory_space<vmem>>) semaphore(%arg11 : memref<!tpu.dma_semaphore, #tpu.memory_space<semaphore_mem>>)
        %dma_start3A_296 = arith.constant 384 : i32
        %dma_start3A_297 = arith.constant 0 : i32
        %dma_start3A_298 = tpu.memref_slice %arg7[%dma_start3A_296, %dma_start3A_297] : memref<512x32xf32, #tpu.memory_space<vmem>> -> memref<128x32xf32, #tpu.memory_space<vmem>>
        %dma_start3A_299 = arith.constant 384 : i32
        %dma_start3A_300 = tpu.memref_slice %arg5[%add3A_268, %dma_start3A_299] : memref<26x512xi32, #tpu.memory_space<vmem>> -> memref<1x128xi32, #tpu.memory_space<vmem>>
        %dma_start3A_301 = tpu.memref_squeeze %dma_start3A_300 : memref<1x128xi32, #tpu.memory_space<vmem>> -> memref<128xi32, #tpu.memory_space<vmem>>
        %dma_start3A_302 = arith.constant 0 : i32
        %dma_start3A_303 = arith.constant 0 : i32
        %dma_start3A_304 = tpu.memref_slice %arg2[%dma_start3A_302, %dma_start3A_303] : memref<1000000x32xf32, #tpu.memory_space<hbm>> -> memref<1000000x32xf32, #tpu.memory_space<hbm>>
        tpu.enqueue_indirect_dma source(%dma_start3A_304 : memref<1000000x32xf32, #tpu.memory_space<hbm>>) target(%dma_start3A_298 : memref<128x32xf32, #tpu.memory_space<vmem>>) offsets(%dma_start3A_301 : memref<128xi32, #tpu.memory_space<vmem>>) semaphore(%arg11 : memref<!tpu.dma_semaphore, #tpu.memory_space<semaphore_mem>>)
      } else {
      }
    }
    %scan3A_99 = arith.constant 13 : i32
    %dma_wait3A = arith.constant 0 : i32
    %dma_wait3A_100 = arith.constant 0 : i32
    %dma_wait3A_101 = arith.constant 0 : i32
    %dma_wait3A_102 = arith.constant 0 : i32
    %dma_wait3A_103 = tpu.memref_slice %arg8[%dma_wait3A, %dma_wait3A_100, %dma_wait3A_101, %dma_wait3A_102] : memref<4x5x8x145xf32, #tpu.memory_space<vmem>> -> memref<4x4x8x128xf32, #tpu.memory_space<vmem>>
    %dma_wait3A_104 = arith.constant 52 : i32
    %dma_wait3A_105 = arith.constant 0 : i32
    %dma_wait3A_106 = arith.constant 0 : i32
    %dma_wait3A_107 = arith.constant 0 : i32
    %dma_wait3A_108 = tpu.memref_slice %arg4[%dma_wait3A_104, %dma_wait3A_105, %dma_wait3A_106, %dma_wait3A_107] : memref<156x128x8x128xf32, #tpu.memory_space<hbm>> -> memref<4x4x8x128xf32, #tpu.memory_space<hbm>>
    %dma_wait3A_109 = arith.constant 0 : i32
    %dma_wait3A_110 = arith.constant 0 : i32
    %dma_wait3A_111 = arith.constant 0 : i32
    %dma_wait3A_112 = arith.constant 0 : i32
    %dma_wait3A_113 = tpu.memref_slice %arg8[%dma_wait3A_109, %dma_wait3A_110, %dma_wait3A_111, %dma_wait3A_112] : memref<4x5x8x145xf32, #tpu.memory_space<vmem>> -> memref<4x4x8x128xf32, #tpu.memory_space<vmem>>
    %dma_wait3A_114 = arith.constant 52 : i32
    %dma_wait3A_115 = arith.constant 0 : i32
    %dma_wait3A_116 = arith.constant 0 : i32
    %dma_wait3A_117 = arith.constant 0 : i32
    %dma_wait3A_118 = tpu.memref_slice %arg4[%dma_wait3A_114, %dma_wait3A_115, %dma_wait3A_116, %dma_wait3A_117] : memref<156x128x8x128xf32, #tpu.memory_space<hbm>> -> memref<4x4x8x128xf32, #tpu.memory_space<hbm>>
    tpu.wait_dma2 semaphore(%arg12 : memref<!tpu.dma_semaphore, #tpu.memory_space<semaphore_mem>>) src(%dma_wait3A_118 : memref<4x4x8x128xf32, #tpu.memory_space<hbm>>) dst(%dma_wait3A_113 : memref<4x4x8x128xf32, #tpu.memory_space<vmem>>)
    %dma_wait3A_119 = arith.constant 0 : i32
    %dma_wait3A_120 = arith.constant 0 : i32
    %dma_wait3A_121 = arith.constant 0 : i32
    %dma_wait3A_122 = arith.constant 0 : i32
    %dma_wait3A_123 = tpu.memref_slice %arg9[%dma_wait3A_119, %dma_wait3A_120, %dma_wait3A_121, %dma_wait3A_122] : memref<4x5x8x145xf32, #tpu.memory_space<vmem>> -> memref<4x4x8x128xf32, #tpu.memory_space<vmem>>
    %dma_wait3A_124 = arith.constant 52 : i32
    %dma_wait3A_125 = arith.constant 0 : i32
    %dma_wait3A_126 = arith.constant 0 : i32
    %dma_wait3A_127 = arith.constant 0 : i32
    %dma_wait3A_128 = tpu.memref_slice %arg4[%dma_wait3A_124, %dma_wait3A_125, %dma_wait3A_126, %dma_wait3A_127] : memref<156x128x8x128xf32, #tpu.memory_space<hbm>> -> memref<4x4x8x128xf32, #tpu.memory_space<hbm>>
    %dma_wait3A_129 = arith.constant 0 : i32
    %dma_wait3A_130 = arith.constant 0 : i32
    %dma_wait3A_131 = arith.constant 0 : i32
    %dma_wait3A_132 = arith.constant 0 : i32
    %dma_wait3A_133 = tpu.memref_slice %arg9[%dma_wait3A_129, %dma_wait3A_130, %dma_wait3A_131, %dma_wait3A_132] : memref<4x5x8x145xf32, #tpu.memory_space<vmem>> -> memref<4x4x8x128xf32, #tpu.memory_space<vmem>>
    %dma_wait3A_134 = arith.constant 52 : i32
    %dma_wait3A_135 = arith.constant 0 : i32
    %dma_wait3A_136 = arith.constant 0 : i32
    %dma_wait3A_137 = arith.constant 0 : i32
    %dma_wait3A_138 = tpu.memref_slice %arg4[%dma_wait3A_134, %dma_wait3A_135, %dma_wait3A_136, %dma_wait3A_137] : memref<156x128x8x128xf32, #tpu.memory_space<hbm>> -> memref<4x4x8x128xf32, #tpu.memory_space<hbm>>
    tpu.wait_dma2 semaphore(%arg13 : memref<!tpu.dma_semaphore, #tpu.memory_space<semaphore_mem>>) src(%dma_wait3A_138 : memref<4x4x8x128xf32, #tpu.memory_space<hbm>>) dst(%dma_wait3A_133 : memref<4x4x8x128xf32, #tpu.memory_space<vmem>>)
    return
  }
}

module attributes {stable_mosaic.version = 14 : i64} {
  func.func @_tc_body(%arg0: i32, %arg1: memref<13x2048xf32, #tpu.memory_space<vmem>>, %arg2: memref<416x13xf32, #tpu.memory_space<vmem>>, %arg3: memref<416x1xf32, #tpu.memory_space<vmem>>, %arg4: memref<1248x16384xf32, #tpu.memory_space<any>>, %arg5: memref<416x2048xf32, #tpu.memory_space<vmem>>) attributes {dimension_semantics = [#tpu.dimension_semantics<arbitrary>], iteration_bounds = array<i64: 8>, scalar_prefetch = 0 : i64, scratch_operands = 0 : i64, tpu.core_type = #tpu.core_type<tc>, window_params = [{transform_indices = @transform_0, window_bounds = array<i64: 13, 2048>}, {pipeline_mode = #tpu.pipeline_mode<synchronous>, transform_indices = @transform_1, window_bounds = array<i64: 416, 13>}, {pipeline_mode = #tpu.pipeline_mode<synchronous>, transform_indices = @transform_2, window_bounds = array<i64: 416, 1>}, {}, {transform_indices = @transform_4, window_bounds = array<i64: 416, 2048>}]} {
    %get3A = arith.constant 0 : index
    %get3A_0 = arith.constant 0 : index
    %get3A_1 = vector.load %arg2[%get3A, %get3A_0] : memref<416x13xf32, #tpu.memory_space<vmem>>, vector<416x13xf32>
    %get3A_2 = arith.constant 0 : index
    %get3A_3 = arith.constant 0 : index
    %get3A_4 = vector.load %arg1[%get3A_2, %get3A_3] : memref<13x2048xf32, #tpu.memory_space<vmem>>, vector<13x2048xf32>
    %dot_general3A = arith.constant dense<0.000000e+00> : vector<416x2048xf32>
    %dot_general3A_5 = tpu.matmul %get3A_1, %get3A_4, %dot_general3A {dimension_numbers = #tpu.dot_dimension_numbers<[1], [0], [0], [1], [0, 0, 1, 1], [], []>, transpose_lhs_hint = false} : vector<416x13xf32>, vector<13x2048xf32>, vector<416x2048xf32> -> vector<416x2048xf32>
    %get3A_6 = arith.constant 0 : index
    %get3A_7 = arith.constant 0 : index
    %get3A_8 = vector.load %arg3[%get3A_6, %get3A_7] : memref<416x1xf32, #tpu.memory_space<vmem>>, vector<416x1xf32>
    %add3A = vector.broadcast %get3A_8 : vector<416x1xf32> to vector<416x2048xf32>
    %add3A_9 = arith.addf %dot_general3A_5, %add3A : vector<416x2048xf32>
    %mul3A = arith.constant 2.000000e-01 : f32
    %mul3A_10 = vector.broadcast %mul3A : f32 to vector<416x2048xf32>
    %mul3A_11 = arith.mulf %add3A_9, %mul3A_10 : vector<416x2048xf32>
    %max3A = arith.maximumf %add3A_9, %mul3A_11 : vector<416x2048xf32>
    %swap3A = arith.constant 0 : index
    %swap3A_12 = arith.constant 0 : index
    %swap3A_13 = vector.load %arg5[%swap3A, %swap3A_12] : memref<416x2048xf32, #tpu.memory_space<vmem>>, vector<416x2048xf32>
    tpu.vector_store %arg5[%swap3A, %swap3A_12], %max3A {strides = array<i32>} : memref<416x2048xf32, #tpu.memory_space<vmem>>, vector<416x2048xf32>,
    return
  }
  func.func @transform_0(%arg0: i32) -> (i32, i32) {
    %c0_i32 = arith.constant 0 : i32
    %c0_i32_0 = arith.constant 0 : i32
    return %c0_i32, %arg0 : i32, i32
  }
  func.func @transform_1(%arg0: i32) -> (i32, i32) {
    %c0_i32 = arith.constant 0 : i32
    %c0_i32_0 = arith.constant 0 : i32
    %c0_i32_1 = arith.constant 0 : i32
    return %c0_i32, %c0_i32_0 : i32, i32
  }
  func.func @transform_2(%arg0: i32) -> (i32, i32) {
    %c0_i32 = arith.constant 0 : i32
    %c0_i32_0 = arith.constant 0 : i32
    %c0_i32_1 = arith.constant 0 : i32
    return %c0_i32, %c0_i32_0 : i32, i32
  }
  func.func @transform_4(%arg0: i32) -> (i32, i32) {
    %c0_i32 = arith.constant 0 : i32
    %c0_i32_0 = arith.constant 0 : i32
    return %c0_i32, %arg0 : i32, i32
  }
}

</mosaic_0001>

<sc_bundles>
// kernel: kernel.4.cloned.1.call-start
scs
__scs_entry_jumppad:
0x0: {  	(pc) =	sbr.rel $0x88, $3  }
0x1: {  	(tag) =	ssettag $0x0;
	lr =	simm.s32 $0x1  }
0x2: {  	[smem:$0x3F9C] =	sst lr;
	_ =	strace $0xD0000000  }
0x3: {  	_ = 	snop  }
0x4: {  	_ = 	snop  }
0x5: {  	_ = 	snop  }
0x6: {  	_ = 	snop  }
0x7: {  	_ = 	snop  }
__scs_overlays_trampoline_lowered:
0x8: {  	[smem:$0x3FAB] =	sst s0  }
0x9: {  	[smem:$0x3FAC] =	sst s1  }
0xa: {  	[smem:$0x3FAD] =	sst s2  }
0xb: {  	[smem:$0x3FAE] =	sst s3  }
0xc: {  	[smem:$0x3FAF] =	sst s4  }
0xd: {  	[smem:$0x3FB0] =	sst s5  }
0xe: {  	[smem:$0x3FB1] =	sst s6  }
0xf: {  	[smem:$0x3FB2] =	sst s7  }
0x10: {  	[smem:$0x3FB3] =	sst s8  }
0x11: {  	[smem:$0x3FB4] =	sst s9;
	s0 =	simm.s32 @!p0 $0x0  }
0x12: {  	s1 =	sld [smem:$0x3F9A];
	s0 =	simm.s32 @p0 $0x1  }
0x13: {  	[smem:$0x3FB5] =	sst s0;
	s0 =	simm.s32 @!p1 $0x0  }
0x14: {  	s2 =	sld [smem:$0x3F99];
	s0 =	simm.s32 @p1 $0x1  }
0x15: {  	[smem:$0x3FB6] =	sst s0;
	s0 =	simm.s32 @!p2 $0x0  }
0x16: {  	s3 =	sld [smem:$0x3FDB];
	s0 =	simm.s32 @p2 $0x1  }
0x17: {  	s4 =	simm.s32 $0x1BF5;
	[smem:$0x3FB8] =	sst s0  }
0x18: {  	s0 =	sld [smem:$0x3F9B];
	_ =	swait.ge [sflag:s4], $0x0  }
0x19: {  	s7 =	sld [smem:$0x3F9C]  }
0x1a: {  	s8 =	sadd.s32 $0xFFFFE003, lr  }
0x1b: {  	s9 =	sadd.s32 $0xFFFFFEF7, lr;
	s5 =	simm.s32 $0xFFFFFFFF;
	p2 =	slt.u32 s8, $0xFFFFF086  }
0x1c: {  	p1 =	slt.u32 s9, $0xF7A;
	s5 =	simm.s32 @!p2 $0x0  }
0x1d: {  	s5 =	simm.s32 @p1 $0x1;
	p0 =	seq.s32 s7, s2  }
0x1e: {  	s7 =	smul.u32 @!p0 $0xF7A, s2;
	p2 =	seq.s32 @!p0 s5, $0x0  }
0x1f: {  	s9 =	smul.u32 $0xF7A, s1;
	s8 =	simm.s32 @!p0 $0x1BF5;
	p2 =	por !p2, p0  }
0x20: {  	[sflag:s8] =	ssyncset.s32 @!p0 $0xFFFFF086;
	s6 =	sadd.s32 @!p0 s3, s7;
	s7 =	simm.s32 @!p0 $0x108  }
0x21: {  	s3 =	sadd.s32 s3, s9;
	s6 =	sadd.s32 @!p0 $0x88, s6;
	s7 =	simm.s32 @p2 $0x1082  }
0x22: {  	[simem:s7], [sflag:s8] =	dma.local @!p0 [hbm:s6], $0xF7A  }
0x23: {  	s9 =	sor.u32 $0xD0000000, s2;
	s6 =	simm.s32 $0x108;
	_ =	swait.ge @!p0 [sflag:s8], $0x0  }
0x24: {  	s3 =	sadd.s32 $0x88, s3;
	s6 =	simm.s32 @!p1 $0x1082;
	[sflag:s4] =	ssyncset.s32 $0xFFFFF086  }
0x25: {  	[simem:s6], [sflag:s4] =	dma.local [hbm:s3], $0xF7A  }
0x26: {  	[smem:$0x3F9C] =	sst s1;
	(tag) =	ssettag s2;
	_ =	strace s9  }
0x27: {  	s1 =	sld [smem:$0x3FAC]  }
0x28: {  	s2 =	sld [smem:$0x3FAD]  }
0x29: {  	s4 =	sld [smem:$0x3FAF]  }
0x2a: {  	p0 =	seq.s32 s5, $0x0;
	s5 =	sld [smem:$0x3FB0]  }
0x2b: {  	s6 =	sld [smem:$0x3FB1]  }
0x2c: {  	s7 =	sld [smem:$0x3FB2]  }
0x2d: {  	s3 =	simm.s32 $0x108;
	s8 =	sld [smem:$0x3FB3]  }
0x2e: {  	s3 =	simm.s32 @!p0 $0x1082;
	s9 =	sld [smem:$0x3FB4]  }
0x2f: {  	lr =	sadd.s32 s0, s3;
	s0 =	sld [smem:$0x3FAB]  }
0x30: {  	s3 =	sld [smem:$0x3FAE]  }
0x31: {  	[smem:$0x3FB7] =	sst s10  }
0x32: {  	s10 =	sld [smem:$0x3FB5];
	_ =	sdelay $0x3  }
0x33: {  	p0 =	seq.s32 s10, $0x1;
	s10 =	sld [smem:$0x3FB7];
	_ =	sdelay $0x3  }
0x34: {  	[smem:$0x3FB7] =	sst s10  }
0x35: {  	s10 =	sld [smem:$0x3FB6];
	_ =	sdelay $0x3  }
0x36: {  	p1 =	seq.s32 s10, $0x1;
	s10 =	sld [smem:$0x3FB7];
	_ =	sdelay $0x3  }
0x37: {  	[smem:$0x3FB7] =	sst s10  }
0x38: {  	s10 =	sld [smem:$0x3FB8]  }
0x39: {  	_ = 	snop;
	(pc) =	sbr.ind lr, $3  }
0x3a: {  	_ = 	snop  }
0x3b: {  	_ = 	snop  }
0x3c: {  	p2 =	seq.s32 s10, $0x1;
	s10 =	sld [smem:$0x3FB7]  }
0x3d: {  	_ =	shalt  }
0x3e: {  	_ =	shalt  }
0x3f: {  	_ =	shalt  }
0x40: {  	_ =	shalt  }
0x41: {  	_ =	shalt  }
0x42: {  	_ =	shalt  }
0x43: {  	_ =	shalt  }
0x44: {  	_ =	shalt  }
0x45: {  	_ =	shalt  }
0x46: {  	_ =	shalt  }
0x47: {  	_ =	shalt  }
0x48: {  	_ =	shalt  }
0x49: {  	_ =	shalt  }
0x4a: {  	_ =	shalt  }
0x4b: {  	_ =	shalt  }
0x4c: {  	_ =	shalt  }
0x4d: {  	_ =	shalt  }
0x4e: {  	_ =	shalt  }
0x4f: {  	_ =	shalt  }
0x50: {  	_ =	shalt  }
0x51: {  	_ =	shalt  }
0x52: {  	_ =	shalt  }
0x53: {  	_ =	shalt  }
0x54: {  	_ =	shalt  }
0x55: {  	_ =	shalt  }
0x56: {  	_ =	shalt  }
0x57: {  	_ =	shalt  }
0x58: {  	_ =	shalt  }
0x59: {  	_ =	shalt  }
0x5a: {  	_ =	shalt  }
0x5b: {  	_ =	shalt  }
0x5c: {  	_ =	shalt  }
0x5d: {  	_ =	shalt  }
0x5e: {  	_ =	shalt  }
0x5f: {  	_ =	shalt  }
0x60: {  	_ =	shalt  }
0x61: {  	_ =	shalt  }
0x62: {  	_ =	shalt  }
0x63: {  	_ =	shalt  }
0x64: {  	_ =	shalt  }
0x65: {  	_ =	shalt  }
0x66: {  	_ =	shalt  }
0x67: {  	_ =	shalt  }
0x68: {  	_ =	shalt  }
0x69: {  	_ =	shalt  }
0x6a: {  	_ =	shalt  }
0x6b: {  	_ =	shalt  }
0x6c: {  	_ =	shalt  }
0x6d: {  	_ =	shalt  }
0x6e: {  	_ =	shalt  }
0x6f: {  	_ =	shalt  }
0x70: {  	_ =	shalt  }
0x71: {  	_ =	shalt  }
0x72: {  	_ =	shalt  }
0x73: {  	_ =	shalt  }
0x74: {  	_ =	shalt  }
0x75: {  	_ =	shalt  }
0x76: {  	_ =	shalt  }
0x77: {  	_ =	shalt  }
0x78: {  	_ =	shalt  }
0x79: {  	_ =	shalt  }
0x7a: {  	_ =	shalt  }
0x7b: {  	_ =	shalt  }
0x7c: {  	_ =	shalt  }
0x7d: {  	_ =	shalt  }
0x7e: {  	_ =	shalt  }
0x7f: {  	_ =	shalt  }
0x80: {  	_ =	shalt  }
0x81: {  	_ =	shalt  }
0x82: {  	_ =	shalt  }
0x83: {  	_ =	shalt  }
0x84: {  	_ =	shalt  }
0x85: {  	_ =	shalt  }
0x86: {  	_ =	shalt  }
0x87: {  	_ =	shalt  }
.Lfunc_end0:
.L_simem_size_0:
called_computation_lowered:
.L_overlay_start_0:
0x88: {  	s2 =	sld [smem:$0x3FD9]  }
0x89: {  	s3 =	sld [smem:$0x3FFE];
	_ =	sdelay $0x1  }
0x8a: {  	s1 =	srdreg.scid  }
0x8b: {  	s0 =	sand.u32 $0x1, s1  }
0x8c: {  	s17 =	sshll.u32 s0, $0xA;
	s2 =	sadd.s32 s3, s2  }
0x8d: {  	s2 =	sadd.s32 s2, s17  }
0x8e: {  	[smem:$0x3FC3] =	sst s2  }
0x8f: {  	_ = 	snop  }
0x90: {  	s2 =	sld [smem:$0x3FD0];
	(tm) =	ssettm $0x1  }
0x91: {  	s18 =	sld [smem:$0x3FFB];
	_ =	sdelay $0x3  }
0x92: {  	_ =	strace s18  }
0x93: {  	s3 =	sld [smem:$0x3FFC];
	_ =	sdelay $0x3  }
0x94: {  	_ =	strace s3  }
0x95: {  	s3 =	sld [smem:$0x3FFD];
	_ =	sdelay $0x3  }
0x96: {  	_ =	strace s3  }
0x97: {  	_ =	strace $0x8FFFFFFF  }
0x98: {  	s19 =	sld [smem:$0x3FDB];
	_ =	sdelay $0x1  }
0x99: {  	s4 =	simm.s32 $_scs_section_size  }
0x9a: {  	s5 =	simm.s32 $_size__tile_overlayer_lowered;
	s6 =	simm.s32 $_tile_overlayer_lowered  }
0x9b: {  	s22 =	simm.s32 $0x1BFF;
	s21 =	sshll.u32 s6, $0x1;
	s3 =	sadd.s32 s4, s19  }
0x9c: {  	s7 =	simm.s32 $0x0;
	s20 =	sshll.u32 s5, $0x1;
	s5 =	sadd.s32 s21, s3  }
0x9d: {  	[timem:s7], [sflag:s22] =	dma.local [hbm:s5], s20  }
0x9e: {  	_ =	swait.ge [sflag:s22], s20  }
0x9f: {  	s4 =	ssub.s32 $0x0, s20;
	[sflag:s22] =	ssyncset.done $0x0  }
0xa0: {  	[sflag:s22] =	ssyncadd.s32 s4;
	_ =	sdelay $0x1  }
0xa1: {  	s23 =	simm.s32 $0x1B8B  }
0xa2: {  	_ =	swait.ge [sflag:s23], $0x1  }
0xa3: {  	[sflag:s23] =	ssyncset.done $0x0  }
0xa4: {  	s25 =	simm.s32 $0x1B8E;
	s24 =	sld [smem:$0x3FFE];
	[sflag:s23] =	ssyncadd.s32 $0xFFFFFFFF  }
0xa5: {  	s26 =	simm.s32 $execute0_lowered;
	[smem:$0x3FD2] =	sst s25  }
0xa6: {  	s5 =	sshll.u32 s26, $0x1;
	_ =	strace $0x80000046;
	[dreg:$0x1] =	wrdreg $0xFFFFFFFF  }
0xa7: {  	s28 =	simm.s32 $_size_execute0_lowered;
	s3 =	sadd.s32 s3, s5;
	[dreg:$0x0] =	wrdreg $0x0  }
0xa8: {  	s5 =	sshll.u32 s28, $0x1;
	[dreg:$0x2] =	wrdreg s3  }
0xa9: {  	[dreg:$0x3] =	wrdreg s5  }
0xaa: {  	[dreg:$0x4] =	wrdreg $0xC0  }
0xab: {  	_ =	task [dreg:s7], $0x5FFFF  }
0xac: {  	[dreg:$0x1] =	wrdreg $0xFFFFFFFF  }
0xad: {  	[dreg:$0x0] =	wrdreg $0x60  }
0xae: {  	[dreg:$0x2] =	wrdreg s24  }
0xaf: {  	[dreg:$0x3] =	wrdreg s2  }
0xb0: {  	[dreg:$0x4] =	wrdreg $0x9  }
0xb1: {  	_ =	task.clear_ibuf [dreg:s7], $0x5FFFF;
	_ =	strace $0x90000046  }
0xb2: {  	s29 =	simm.s32 $0x9;
	_ =	strace $0x80000048  }
0xb3: {  	_ =	swait.ge [sflag:s29], $0x1  }
0xb4: {  	[sflag:s29] =	ssyncadd.s32 $0xFFFFFFFF  }
0xb5: {  	_ =	strace $0x90000048  }
0xb6: {  	_ =	sfence  }
0xb7: {  	s30 =	sld [smem:$0x0];
	_ =	sdelay $0x2  }
0xb8: {  	s31 =	sshll.u32 s1, $0xD;
	s1 =	sshrl.u32 s1, $0x2  }
0xb9: {  	s3 =	sand.u32 $0x4000, s31;
	s1 =	sadd.s32 s1, s30  }
0xba: {  	s0 =	sor.u32 s3, s0;
	s1 =	sshll.u32 s1, $0x11  }
0xbb: {  	s0 =	sor.u32 s1, s0  }
0xbc: {  	s0 =	sadd.s32 $0x8F2B, s0  }
0xbd: {  	[sflag:s0] =	ssyncadd.remote.s32 $0x1  }
0xbe: {  	_ =	sfence.sel $0xFFFF  }
0xbf: {  	[dreg:$0x0] =	wrdreg $0xFFFFFFFF;
	(pc) =	sbr.abs _section_cstart, $3  }
0xc0: {  	[dreg:$0x1] =	wrdreg $0xFFFFFFFF  }
0xc1: {  	_ =	task.clear_ibuf [dreg:s7], $0x2FFFF;
	_ =	strace $0x9FFFFFFF  }
0xc2: {  	(tm) =	ssettm $0x7FFFFFFF  }
0xc3: {  	_ =	shalt  }
tec
execute0_lowered:
.L_overlay_start_1:
0x0: {  	(tag) =	ssettag $0x1  }
0x1: {  	v0 =	vimm.s32 $0x1BE8;
	vm0 =	vcmask $0x300;
	v1 =	vimm.s32 $0x4B68  }
0x2: {  	s0 =	rddreg [dreg:$0x0];
	vm1 =	vcmask $0x704;
	v0 =	vsel vm0, $0x0, v0;
	v1 =	vsel vm0, $0x2F80, v1  }
0x3: {  	s1 =	rddreg [dreg:$0x1];
	vm15 =	vcmask $0xB08;
	v0 =	vsel vm1, $0x98, v0;
	v1 =	vsel vm1, $0x3018, v1  }
0x4: {  	s2 =	srdreg.scid;
	s4 =	stileid.u32;
	vm4 =	vcmask $0xF0C;
	s10 =	simm.s32 $0x5;
	v0 =	vsel vm15, $0x130, v0;
	v1 =	vsel vm15, $0x30B0, v1  }
0x5: {  	vm5 =	vcmask $0x1310;
	s11 =	simm.s32 $0x80;
	s12 =	simm.s32 $0x3400;
	s13 =	simm.s32 $0x4400;
	v0 =	vsel vm4, $0x1C8, v0;
	v1 =	vsel vm4, $0x3148, v1  }
0x6: {  	vm6 =	vcmask $0x1714;
	s15 =	simm.s32 $0x5400;
	s17 =	simm.s32 $0x6400;
	s18 =	simm.s32 $0x7400;
	v0 =	vsel vm5, $0x260, v0;
	v1 =	vsel vm5, $0x31E0, v1  }
0x7: {  	vm7 =	vcmask $0x1B18;
	s20 =	simm.s32 $0x8400;
	s22 =	simm.s32 $0x9400;
	s24 =	simm.s32 $0xA400;
	v0 =	vsel vm6, $0x2F8, v0;
	v1 =	vsel vm6, $0x3278, v1  }
0x8: {  	vm8 =	vcmask $0x1F1C;
	s28 =	simm.s32 $0x2;
	s29 =	simm.s32 $0x4;
	s30 =	simm.s32 $0x11300;
	v0 =	vsel vm7, $0x390, v0;
	v1 =	vsel vm7, $0x3310, v1  }
0x9: {  	vm9 =	vcmask $0x2320;
	s31 =	simm.s32 $0x3;
	s3 =	sand.u32 $0x1, s2;
	s2 =	simm.s32 $0x0;
	v0 =	vsel vm8, $0x428, v0;
	v1 =	vsel vm8, $0x33A8, v1  }
0xa: {  	vm10 =	vcmask $0x2724;
	s4 =	sshll.u32 s4, $0xA;
	s5 =	sshll.u32 s3, $0x9;
	[smem:$0x7FF] =	sst s2;
	v0 =	vsel vm9, $0x17C0, v0;
	v1 =	vsel vm9, $0x4740, v1  }
0xb: {  	vm11 =	vcmask $0x2B28;
	s6 =	ssub.s32 $0x2, s3;
	s3 =	sadd.s32 $0xF43000, s0;
	s4 =	sor.u32 s5, s4;
	v0 =	vsel vm10, $0x1858, v0;
	v1 =	vsel vm10, $0x47D8, v1  }
.Ltmp0:
0xc: {  	vm12 =	vcmask $0x2F2C;
	_ =	strace $0x80000047;
	s25 =	sshrl.u32 s6, $0x1;
	v0 =	vsel vm11, $0x18F0, v0;
	v1 =	vsel vm11, $0x4870, v1;
	(pc) =	sbr.rel .LBB2_1-.Ltmp0, $4  }
0xd: {  	vm13 =	vcmask $0x3330;
	s5 =	sshrl.u32 s4, $0x3;
	s7 =	ssub.s32 s6, s25;
	s26 =	sadd.s32 s4, s1;
	v0 =	vsel vm12, $0x1988, v0;
	v1 =	vsel vm12, $0x4908, v1  }
0xe: {  	vm14 =	vcmask $0x3734;
	s25 =	simm.s32 $0x1;
	s0 =	sadd.s32 s5, s0;
	s5 =	sadd.s32 $0xD0000, s26;
	v0 =	vsel vm13, $0x1A20, v0;
	v1 =	vsel vm13, $0x49A0, v1  }
0xf: {  	vm15 =	vcmask $0x3B38;
	s6 =	sadd.s32 $0xE0000, s26;
	s7 =	smax.u32 s7, $0x1;
	s0 =	sadd.s32 $0xC00, s0;
	v0 =	vsel vm14, $0x1AB8, v0;
	v1 =	vsel vm14, $0x4A38, v1  }
0x10: {  	s26 =	simm.s32 $0xB400;
	[dreg:$0x3] =	wrdreg s0;
	s0 =	simm.s32 $0x0;
	v0 =	vsel vm15, $0x1B50, v0;
	v1 =	vsel vm15, $0x4AD0, v1  }
.LBB2_28:
0x11: {  	s0 =	sadd.s32 $0x1, s0  }
0x12: {  	_ =	swait.ge [sflag:s31], $0x4000;
	p0 =	sne.s32 s0, s7  }
.Ltmp1:
0x13: {  	[sflag:s31] =	ssyncset.done $0x0;
	(pc) =	sbr.rel @!p0 .LBB2_29-.Ltmp1, $4  }
0x14: {  	[sflag:s31] =	ssyncadd.s32 $0xFFFFC000  }
0x15: {  	_ =	swait.ge [sflag:s29], $0x4000  }
0x16: {  	[sflag:s29] =	ssyncset.done $0x0  }
0x17: {  	[sflag:s29] =	ssyncadd.s32 $0xFFFFC000  }
.LBB2_1:
0x18: {  	s1 =	rddreg [dreg:$0x3];
	s4 =	simm.s32 $0x200;
	s8 =	simm.s32 $0x4000  }
0x19: {  	[tilespmem:s2], [sflag:$0x5] =	stream.strided.gather [hbm4b:s1+s4], $0x3400, s8, s4, $0x38;
	[tilespmem:$0x17200] =	vst v63  }
0x1a: {  	_ =	swait.ge [sflag:s10], $0x3400  }
0x1b: {  	[sflag:s10] =	ssyncset.done $0x0  }
0x1c: {  	[sflag:s10] =	ssyncadd.s32 $0xFFFFCC00  }
0x1d: {  	[tilespmem:s12], [sflag:$0x1] =	stream.indirect.gather [hbm4b:s3+s11], $0x20, s2, s11, $0xb8;
	[tilespmem:$0x17200] =	vst v63  }
0x1e: {  	_ = 	snop  }
0x1f: {  	[tilespmem:s13], [sflag:$0x1] =	stream.indirect.gather [hbm4b:s3+s11], $0x20, s11, s11, $0xb8;
	[tilespmem:$0x17200] =	vst v63  }
0x20: {  	s14 =	simm.s32 $0x100  }
0x21: {  	[tilespmem:s15], [sflag:$0x1] =	stream.indirect.gather [hbm4b:s3+s11], $0x20, s14, s11, $0xb8;
	[tilespmem:$0x17200] =	vst v63  }
0x22: {  	s16 =	simm.s32 $0x180  }
0x23: {  	[tilespmem:s17], [sflag:$0x1] =	stream.indirect.gather [hbm4b:s3+s11], $0x20, s16, s11, $0xb8;
	[tilespmem:$0x17200] =	vst v63  }
0x24: {  	_ = 	snop  }
0x25: {  	[tilespmem:s18], [sflag:$0x2] =	stream.indirect.gather [hbm4b:s3+s11], $0x20, s4, s11, $0xb8;
	[tilespmem:$0x17200] =	vst v63  }
0x26: {  	s19 =	simm.s32 $0x280  }
0x27: {  	[tilespmem:s20], [sflag:$0x2] =	stream.indirect.gather [hbm4b:s3+s11], $0x20, s19, s11, $0xb8;
	[tilespmem:$0x17200] =	vst v63  }
0x28: {  	s21 =	simm.s32 $0x300  }
0x29: {  	[tilespmem:s22], [sflag:$0x2] =	stream.indirect.gather [hbm4b:s3+s11], $0x20, s21, s11, $0xb8;
	[tilespmem:$0x17200] =	vst v63  }
0x2a: {  	s23 =	simm.s32 $0x380;
	s1 =	simm.s32 $0x0  }
0x2b: {  	[tilespmem:s24], [sflag:$0x2] =	stream.indirect.gather [hbm4b:s3+s11], $0x20, s23, s11, $0xb8;
	[tilespmem:$0x17200] =	vst v63  }
.LBB2_2:
0x2c: {  	_ =	swait.ge [sflag:s25], $0x4000  }
0x2d: {  	p0 =	seq.s32 s1, $0x0;
	s4 =	simm.s32 $0x0;
	[sflag:s25] =	ssyncset.done $0x0  }
0x2e: {  	s8 =	simm.s32 @!p0 $0x3;
	v2 =	vmov s4;
	[sflag:s25] =	ssyncadd.s32 $0xFFFFC000  }
0x2f: {  	v2 =	vmul.u32 $0x4C0, v2;
	_ =	swait.ge @!p0 [sflag:s8], $0x4000  }
0x30: {  	s21 =	simm.s32 $0x0;
	[sflag:s8] =	ssyncset.done @!p0 $0x0  }
0x31: {  	s14 =	simm.s32 $0x3410;
	v3 =	vmov s21;
	v2 =	vbroadcast v2, $0x0;
	[sflag:s8] =	ssyncadd.s32 @!p0 $0xFFFFC000  }
0x32: {  	v5 =	vand.u32 $0x78, v3;
	v4 =	vld [tilespmem:s14+$0xFFFFFFF0]  }
0x33: {  	v3 =	vand.u32 $0x7, v3;
	v2 =	vadd.s32 v2, v5  }
0x34: {  	v2 =	vor.u32 v3, v2  }
0x35: {  	v3 =	vadd.s32 v0, v2;
	_ =	sdelay $0x1  }
0x36: {  	v5 =	vmul.f32 $2.000000030e-01, v4;
	_ =	sdelay $0x1  }
0x37: {  	v4 =	vmax.f32 v4, v5  }
0x38: {  	[tilespmem:v3+s26+$0x0] =	vst.idx.msk $0xffff, v4  }
0x39: {  	v4 =	vld [tilespmem:s14+$0x0];
	_ =	sdelay $0x3  }
0x3a: {  	v2 =	vadd.s32 v1, v2  }
0x3b: {  	s23 =	simm.s32 $0x0;
	v5 =	vmul.f32 $2.000000030e-01, v4  }
0x3c: {  	v3 =	vmov s23  }
0x3d: {  	s9 =	sshll.u32 s1, $0xA;
	s19 =	simm.s32 $0x1;
	s16 =	simm.s32 $0x2;
	v3 =	vmul.u32 $0x4C0, v3;
	v4 =	vmax.f32 v4, v5  }
.LBB2_3:
0x3e: {  	p1 =	sne.s32 s16, $0x1FF  }
0x3f: {  	v5 =	vmov s19;
	v3 =	vbroadcast v3, $0x0;
	[tilespmem:v2+s26+$0x0] =	vst.idx.msk $0xffff, v4;
	s14 =	sadd.s32 $0x20, s14;
	s19 =	smov.u32 s16;
	s16 =	sadd.s32 $0x1, s16  }
0x40: {  	v2 =	vld [tilespmem:s14+$0xFFFFFFF0];
	v4 =	vand.u32 $0x78, v5  }
0x41: {  	v5 =	vand.u32 $0x7, v5;
	v3 =	vadd.s32 v3, v4  }
0x42: {  	v3 =	vor.u32 v5, v3  }
0x43: {  	v4 =	vadd.s32 v0, v3;
	_ =	sdelay $0x1  }
0x44: {  	v5 =	vmul.f32 $2.000000030e-01, v2;
	_ =	sdelay $0x1  }
0x45: {  	v2 =	vmax.f32 v2, v5  }
0x46: {  	[tilespmem:v4+s26+$0x0] =	vst.idx.msk $0xffff, v2  }
0x47: {  	v4 =	vld [tilespmem:s14+$0x0];
	_ =	sdelay $0x2  }
.Ltmp2:
0x48: {  	v2 =	vadd.s32 v1, v3;
	(pc) =	sbr.rel @p1 .LBB2_3-.Ltmp2, $4  }
0x49: {  	s4 =	sshrl.u32 s19, $0x7  }
0x4a: {  	v3 =	vmov s4;
	v5 =	vmul.f32 $2.000000030e-01, v4  }
0x4b: {  	v3 =	vmul.u32 $0x4C0, v3  }
0x4c: {  	v4 =	vmax.f32 v4, v5  }
0x4d: {  	_ =	sdelay $0x3  }
0x4e: {  	v5 =	vmov s19;
	v3 =	vbroadcast v3, $0x0;
	[tilespmem:v2+s26+$0x0] =	vst.idx.msk $0xffff, v4;
	s4 =	sadd.s32 $0x20, s14  }
0x4f: {  	v2 =	vld [tilespmem:s4+$0xFFFFFFF0];
	v60 =	vand.u32 $0x78, v5  }
0x50: {  	v5 =	vand.u32 $0x7, v5;
	v3 =	vadd.s32 v3, v60  }
0x51: {  	v3 =	vor.u32 v5, v3  }
0x52: {  	v61 =	vadd.s32 v0, v3;
	_ =	sdelay $0x1  }
0x53: {  	v62 =	vmul.f32 $2.000000030e-01, v2;
	_ =	sdelay $0x1  }
0x54: {  	v2 =	vmax.f32 v2, v62  }
0x55: {  	[tilespmem:v61+s26+$0x0] =	vst.idx.msk $0xffff, v2  }
0x56: {  	v2 =	vld [tilespmem:s4+$0x0];
	_ =	sdelay $0x2  }
0x57: {  	v3 =	vadd.s32 v1, v3;
	_ =	sdelay $0x1  }
0x58: {  	v63 =	vmul.f32 $2.000000030e-01, v2  }
0x59: {  	s14 =	sshll.u32 s1, $0x11  }
0x5a: {  	s19 =	simm.s32 $0xB400;
	s16 =	sadd.s32 s14, s5;
	v2 =	vmax.f32 v2, v63  }
0x5b: {  	s21 =	simm.s32 $0x10;
	s23 =	simm.s32 $0xB498;
	s4 =	sadd.s32 $0x0, s16;
	[tilespmem:v3+s26+$0x0] =	vst.idx.msk $0xffff, v2  }
.LBB2_5:
0x5c: {  	[hbm4b:s4+s2] =	stream.linear.scatter [tilespmem:s19], [sflag:$0x3], $0x80, $0x38;
	[tilespmem:$0x17200] =	vst v63  }
0x5d: {  	s4 =	smov.u32 s21;
	s19 =	smov.u32 s23;
	p1 =	sne.s32 s21, $0x1F0  }
.Ltmp3:
0x5e: {  	s21 =	sadd.s32 $0x10, s21;
	(pc) =	sbr.rel @p1 .LBB2_5-.Ltmp3, $2  }
0x5f: {  	_ =	sdelay $0x2  }
0x60: {  	s23 =	sadd.s32 $0x98, s23;
	s4 =	sadd.s32 s4, s16  }
0x61: {  	[hbm4b:s4+s2] =	stream.linear.scatter [tilespmem:s19], [sflag:$0x3], $0x80, $0x38;
	[tilespmem:$0x17200] =	vst v63  }
0x62: {  	s19 =	sadd.s32 $0x4000, s16;
	s21 =	simm.s32 $0xCBC0  }
0x63: {  	s23 =	simm.s32 $0x10;
	s4 =	simm.s32 $0xCC58;
	s8 =	sadd.s32 $0x0, s19  }
.LBB2_7:
0x64: {  	[hbm4b:s8+s2] =	stream.linear.scatter [tilespmem:s21], [sflag:$0x3], $0x80, $0x38;
	[tilespmem:$0x17200] =	vst v63  }
0x65: {  	s8 =	smov.u32 s23;
	s21 =	smov.u32 s4;
	p1 =	sne.s32 s23, $0x1F0  }
.Ltmp4:
0x66: {  	s23 =	sadd.s32 $0x10, s23;
	(pc) =	sbr.rel @p1 .LBB2_7-.Ltmp4, $2  }
0x67: {  	_ =	sdelay $0x2  }
0x68: {  	s4 =	sadd.s32 $0x98, s4;
	s8 =	sadd.s32 s8, s19  }
0x69: {  	[hbm4b:s8+s2] =	stream.linear.scatter [tilespmem:s21], [sflag:$0x3], $0x80, $0x38;
	[tilespmem:$0x17200] =	vst v63  }
0x6a: {  	s19 =	sadd.s32 $0x8000, s16;
	s21 =	simm.s32 $0xE380  }
0x6b: {  	s23 =	simm.s32 $0x10;
	s4 =	simm.s32 $0xE418;
	s8 =	sadd.s32 $0x0, s19  }
.LBB2_9:
0x6c: {  	[hbm4b:s8+s2] =	stream.linear.scatter [tilespmem:s21], [sflag:$0x3], $0x80, $0x38;
	[tilespmem:$0x17200] =	vst v63  }
0x6d: {  	s8 =	smov.u32 s23;
	s21 =	smov.u32 s4;
	p1 =	sne.s32 s23, $0x1F0  }
.Ltmp5:
0x6e: {  	s23 =	sadd.s32 $0x10, s23;
	(pc) =	sbr.rel @p1 .LBB2_9-.Ltmp5, $2  }
0x6f: {  	_ =	sdelay $0x2  }
0x70: {  	s4 =	sadd.s32 $0x98, s4;
	s8 =	sadd.s32 s8, s19  }
0x71: {  	[hbm4b:s8+s2] =	stream.linear.scatter [tilespmem:s21], [sflag:$0x3], $0x80, $0x38;
	[tilespmem:$0x17200] =	vst v63  }
0x72: {  	s16 =	sadd.s32 $0xC000, s16;
	s19 =	simm.s32 $0xFB40  }
0x73: {  	s21 =	simm.s32 $0x10;
	s4 =	simm.s32 $0xFBD8;
	s8 =	sadd.s32 $0x0, s16  }
.LBB2_11:
0x74: {  	[hbm4b:s8+s2] =	stream.linear.scatter [tilespmem:s19], [sflag:$0x3], $0x80, $0x38;
	[tilespmem:$0x17200] =	vst v63  }
0x75: {  	s8 =	smov.u32 s21;
	s19 =	smov.u32 s4;
	p1 =	sne.s32 s21, $0x1F0  }
.Ltmp6:
0x76: {  	s21 =	sadd.s32 $0x10, s21;
	(pc) =	sbr.rel @p1 .LBB2_11-.Ltmp6, $2  }
0x77: {  	_ =	sdelay $0x2  }
0x78: {  	s4 =	sadd.s32 $0x98, s4;
	s8 =	sadd.s32 s8, s16  }
0x79: {  	p1 =	sne.s32 s1, $0xC  }
.Ltmp7:
0x7a: {  	_ = 	snop;
	(pc) =	sbr.rel @p1 .LBB2_14-.Ltmp7, $2  }
0x7b: {  	_ =	sdelay $0x2  }
0x7c: {  	[hbm4b:s8+s2] =	stream.linear.scatter [tilespmem:s19], [sflag:$0x3], $0x80, $0x38;
	[tilespmem:$0x17200] =	vst v63  }
.Ltmp8:
0x7d: {  	(pc) =	sbr.rel .LBB2_15-.Ltmp8, $4  }
0x7e: {  	_ = 	snop  }
0x7f: {  	_ =	swait.ge [sflag:s28], $0x4000  }
0x80: {  	[sflag:s28] =	ssyncset.done $0x0  }
0x81: {  	[sflag:s28] =	ssyncadd.s32 $0xFFFFC000  }
.LBB2_14:
0x82: {  	s4 =	sadd.s32 $0x400, s9  }
0x83: {  	[tilespmem:s12], [sflag:$0x1] =	stream.indirect.gather [hbm4b:s3+s11], $0x20, s4, s11, $0xb8;
	[tilespmem:$0x17200] =	vst v63  }
0x84: {  	s19 =	sadd.s32 $0x480, s9  }
0x85: {  	[tilespmem:s13], [sflag:$0x1] =	stream.indirect.gather [hbm4b:s3+s11], $0x20, s19, s11, $0xb8;
	[tilespmem:$0x17200] =	vst v63  }
0x86: {  	s21 =	sadd.s32 $0x500, s9  }
0x87: {  	[tilespmem:s15], [sflag:$0x1] =	stream.indirect.gather [hbm4b:s3+s11], $0x20, s21, s11, $0xb8;
	[tilespmem:$0x17200] =	vst v63  }
.Ltmp9:
0x88: {  	s23 =	sadd.s32 $0x580, s9;
	(pc) =	sbr.rel @p0 .LBB2_16-.Ltmp9, $4  }
0x89: {  	[tilespmem:s17], [sflag:$0x1] =	stream.indirect.gather [hbm4b:s3+s11], $0x20, s23, s11, $0xb8;
	[tilespmem:$0x17200] =	vst v63  }
0x8a: {  	_ =	swait.ge [sflag:s28], $0x4000  }
0x8b: {  	[sflag:s28] =	ssyncset.done $0x0  }
0x8c: {  	[sflag:s28] =	ssyncadd.s32 $0xFFFFC000  }
.LBB2_15:
0x8d: {  	_ =	swait.ge [sflag:s29], $0x4000  }
0x8e: {  	[sflag:s29] =	ssyncset.done $0x0  }
0x8f: {  	[sflag:s29] =	ssyncadd.s32 $0xFFFFC000  }
.LBB2_16:
0x90: {  	s4 =	simm.s32 $0x0  }
0x91: {  	v2 =	vmov s4  }
0x92: {  	v2 =	vmul.u32 $0x4C0, v2  }
0x93: {  	s21 =	simm.s32 $0x0  }
0x94: {  	s16 =	simm.s32 $0x7410;
	v3 =	vmov s21;
	v2 =	vbroadcast v2, $0x0  }
0x95: {  	v4 =	vld [tilespmem:s16+$0xFFFFFFF0];
	v5 =	vand.u32 $0x78, v3  }
0x96: {  	v3 =	vand.u32 $0x7, v3;
	v2 =	vadd.s32 v2, v5  }
0x97: {  	v2 =	vor.u32 v3, v2  }
0x98: {  	v3 =	vadd.s32 v0, v2;
	_ =	sdelay $0x1  }
0x99: {  	v5 =	vmul.f32 $2.000000030e-01, v4;
	_ =	sdelay $0x1  }
0x9a: {  	v4 =	vmax.f32 v4, v5  }
0x9b: {  	[tilespmem:v3+s30+$0x0] =	vst.idx.msk $0xffff, v4  }
0x9c: {  	v4 =	vld [tilespmem:s16+$0x0];
	_ =	sdelay $0x3  }
0x9d: {  	v2 =	vadd.s32 v1, v2  }
0x9e: {  	s23 =	simm.s32 $0x0;
	v5 =	vmul.f32 $2.000000030e-01, v4  }
0x9f: {  	v3 =	vmov s23  }
0xa0: {  	s19 =	simm.s32 $0x2;
	s21 =	simm.s32 $0x1;
	v3 =	vmul.u32 $0x4C0, v3;
	v4 =	vmax.f32 v4, v5  }
.LBB2_17:
0xa1: {  	p0 =	sne.s32 s19, $0x1FF  }
0xa2: {  	v5 =	vmov s21;
	v3 =	vbroadcast v3, $0x0;
	[tilespmem:v2+s30+$0x0] =	vst.idx.msk $0xffff, v4;
	s16 =	sadd.s32 $0x20, s16;
	s21 =	smov.u32 s19;
	s19 =	sadd.s32 $0x1, s19  }
0xa3: {  	v2 =	vld [tilespmem:s16+$0xFFFFFFF0];
	v4 =	vand.u32 $0x78, v5  }
0xa4: {  	v5 =	vand.u32 $0x7, v5;
	v3 =	vadd.s32 v3, v4  }
0xa5: {  	v3 =	vor.u32 v5, v3  }
0xa6: {  	v4 =	vadd.s32 v0, v3;
	_ =	sdelay $0x1  }
0xa7: {  	v5 =	vmul.f32 $2.000000030e-01, v2;
	_ =	sdelay $0x1  }
0xa8: {  	v2 =	vmax.f32 v2, v5  }
0xa9: {  	[tilespmem:v4+s30+$0x0] =	vst.idx.msk $0xffff, v2  }
0xaa: {  	v4 =	vld [tilespmem:s16+$0x0];
	_ =	sdelay $0x2  }
.Ltmp10:
0xab: {  	v2 =	vadd.s32 v1, v3;
	(pc) =	sbr.rel @p0 .LBB2_17-.Ltmp10, $4  }
0xac: {  	s4 =	sshrl.u32 s21, $0x7  }
0xad: {  	v3 =	vmov s4;
	v5 =	vmul.f32 $2.000000030e-01, v4  }
0xae: {  	v3 =	vmul.u32 $0x4C0, v3  }
0xaf: {  	v4 =	vmax.f32 v4, v5  }
0xb0: {  	_ =	sdelay $0x3  }
0xb1: {  	v5 =	vmov s21;
	v3 =	vbroadcast v3, $0x0;
	[tilespmem:v2+s30+$0x0] =	vst.idx.msk $0xffff, v4;
	s4 =	sadd.s32 $0x20, s16  }
0xb2: {  	v2 =	vld [tilespmem:s4+$0xFFFFFFF0];
	v60 =	vand.u32 $0x78, v5  }
0xb3: {  	v5 =	vand.u32 $0x7, v5;
	v3 =	vadd.s32 v3, v60  }
0xb4: {  	v3 =	vor.u32 v5, v3  }
0xb5: {  	v61 =	vadd.s32 v0, v3;
	_ =	sdelay $0x1  }
0xb6: {  	v62 =	vmul.f32 $2.000000030e-01, v2;
	_ =	sdelay $0x1  }
0xb7: {  	v2 =	vmax.f32 v2, v62  }
0xb8: {  	[tilespmem:v61+s30+$0x0] =	vst.idx.msk $0xffff, v2  }
0xb9: {  	v2 =	vld [tilespmem:s4+$0x0];
	_ =	sdelay $0x2  }
0xba: {  	v3 =	vadd.s32 v1, v3;
	_ =	sdelay $0x1  }
0xbb: {  	v63 =	vmul.f32 $2.000000030e-01, v2;
	_ =	sdelay $0x1  }
0xbc: {  	s14 =	sadd.s32 s14, s6;
	s16 =	simm.s32 $0x11300;
	v2 =	vmax.f32 v2, v63  }
0xbd: {  	s19 =	simm.s32 $0x10;
	s8 =	sadd.s32 $0x0, s14;
	s4 =	simm.s32 $0x11398;
	[tilespmem:v3+s30+$0x0] =	vst.idx.msk $0xffff, v2  }
.LBB2_19:
0xbe: {  	[hbm4b:s8+s2] =	stream.linear.scatter [tilespmem:s16], [sflag:$0x4], $0x80, $0x38;
	[tilespmem:$0x17200] =	vst v63  }
0xbf: {  	s8 =	smov.u32 s19;
	s16 =	smov.u32 s4;
	p0 =	sne.s32 s19, $0x1F0  }
.Ltmp11:
0xc0: {  	s19 =	sadd.s32 $0x10, s19;
	(pc) =	sbr.rel @p0 .LBB2_19-.Ltmp11, $2  }
0xc1: {  	_ =	sdelay $0x2  }
0xc2: {  	s4 =	sadd.s32 $0x98, s4;
	s8 =	sadd.s32 s8, s14  }
0xc3: {  	[hbm4b:s8+s2] =	stream.linear.scatter [tilespmem:s16], [sflag:$0x4], $0x80, $0x38;
	[tilespmem:$0x17200] =	vst v63  }
0xc4: {  	s16 =	sadd.s32 $0x4000, s14;
	s19 =	simm.s32 $0x12AC0  }
0xc5: {  	s21 =	simm.s32 $0x10;
	s4 =	simm.s32 $0x12B58;
	s8 =	sadd.s32 $0x0, s16  }
.LBB2_21:
0xc6: {  	[hbm4b:s8+s2] =	stream.linear.scatter [tilespmem:s19], [sflag:$0x4], $0x80, $0x38;
	[tilespmem:$0x17200] =	vst v63  }
0xc7: {  	s8 =	smov.u32 s21;
	s19 =	smov.u32 s4;
	p0 =	sne.s32 s21, $0x1F0  }
.Ltmp12:
0xc8: {  	s21 =	sadd.s32 $0x10, s21;
	(pc) =	sbr.rel @p0 .LBB2_21-.Ltmp12, $2  }
0xc9: {  	_ =	sdelay $0x2  }
0xca: {  	s4 =	sadd.s32 $0x98, s4;
	s8 =	sadd.s32 s8, s16  }
0xcb: {  	[hbm4b:s8+s2] =	stream.linear.scatter [tilespmem:s19], [sflag:$0x4], $0x80, $0x38;
	[tilespmem:$0x17200] =	vst v63  }
0xcc: {  	s16 =	sadd.s32 $0x8000, s14;
	s19 =	simm.s32 $0x14280  }
0xcd: {  	s21 =	simm.s32 $0x10;
	s4 =	simm.s32 $0x14318;
	s8 =	sadd.s32 $0x0, s16  }
.LBB2_23:
0xce: {  	[hbm4b:s8+s2] =	stream.linear.scatter [tilespmem:s19], [sflag:$0x4], $0x80, $0x38;
	[tilespmem:$0x17200] =	vst v63  }
0xcf: {  	s8 =	smov.u32 s21;
	s19 =	smov.u32 s4;
	p0 =	sne.s32 s21, $0x1F0  }
.Ltmp13:
0xd0: {  	s21 =	sadd.s32 $0x10, s21;
	(pc) =	sbr.rel @p0 .LBB2_23-.Ltmp13, $2  }
0xd1: {  	_ =	sdelay $0x2  }
0xd2: {  	s4 =	sadd.s32 $0x98, s4;
	s8 =	sadd.s32 s8, s16  }
0xd3: {  	[hbm4b:s8+s2] =	stream.linear.scatter [tilespmem:s19], [sflag:$0x4], $0x80, $0x38;
	[tilespmem:$0x17200] =	vst v63  }
0xd4: {  	s14 =	sadd.s32 $0xC000, s14;
	s16 =	simm.s32 $0x15A40  }
0xd5: {  	s19 =	simm.s32 $0x10;
	s4 =	simm.s32 $0x15AD8;
	s8 =	sadd.s32 $0x0, s14  }
.LBB2_25:
0xd6: {  	[hbm4b:s8+s2] =	stream.linear.scatter [tilespmem:s16], [sflag:$0x4], $0x80, $0x38;
	[tilespmem:$0x17200] =	vst v63  }
0xd7: {  	s8 =	smov.u32 s19;
	s16 =	smov.u32 s4;
	p0 =	sne.s32 s19, $0x1F0  }
.Ltmp14:
0xd8: {  	s19 =	sadd.s32 $0x10, s19;
	(pc) =	sbr.rel @p0 .LBB2_25-.Ltmp14, $2  }
0xd9: {  	_ =	sdelay $0x2  }
0xda: {  	s4 =	sadd.s32 $0x98, s4;
	s8 =	sadd.s32 s8, s14  }
0xdb: {  	p0 =	seq.s32 s1, $0xC  }
.Ltmp15:
0xdc: {  	_ = 	snop;
	(pc) =	sbr.rel @p0 .LBB2_28-.Ltmp15, $2  }
0xdd: {  	_ =	sdelay $0x2  }
0xde: {  	[hbm4b:s8+s2] =	stream.linear.scatter [tilespmem:s16], [sflag:$0x4], $0x80, $0x38;
	[tilespmem:$0x17200] =	vst v63  }
0xdf: {  	s4 =	sadd.s32 $0x600, s9  }
0xe0: {  	[tilespmem:s18], [sflag:$0x2] =	stream.indirect.gather [hbm4b:s3+s11], $0x20, s4, s11, $0xb8;
	[tilespmem:$0x17200] =	vst v63  }
0xe1: {  	s19 =	sadd.s32 $0x680, s9  }
0xe2: {  	[tilespmem:s20], [sflag:$0x2] =	stream.indirect.gather [hbm4b:s3+s11], $0x20, s19, s11, $0xb8;
	[tilespmem:$0x17200] =	vst v63  }
.Ltmp16:
0xe3: {  	_ = 	snop;
	(pc) =	sbr.rel .LBB2_2-.Ltmp16, $4  }
0xe4: {  	s21 =	sadd.s32 $0x700, s9  }
0xe5: {  	[tilespmem:s22], [sflag:$0x2] =	stream.indirect.gather [hbm4b:s3+s11], $0x20, s21, s11, $0xb8;
	[tilespmem:$0x17200] =	vst v63  }
0xe6: {  	s23 =	sadd.s32 $0x780, s9;
	s1 =	sadd.s32 $0x1, s1  }
0xe7: {  	[tilespmem:s24], [sflag:$0x2] =	stream.indirect.gather [hbm4b:s3+s11], $0x20, s23, s11, $0xb8;
	[tilespmem:$0x17200] =	vst v63  }
.LBB2_29:
0xe8: {  	_ =	sfence.sel $0x180000  }
0xe9: {  	[bflag:$0x0] =	sbarrier.arrive $0xFFFF  }
0xea: {  	_ =	strace $0x90000047  }
0xeb: {  	s0 =	stileid.u32;
	[bflag:$0x2] =	sbarrier.arrive $0xFFFF  }
0xec: {  	p0 =	sne.s32 s0, $0x0;
	s0 =	rddreg [dreg:$0x2]  }
0xed: {  	s0 =	sadd.s32 @!p0 $0x100000, s0  }
0xee: {  	[sflag:s0] =	ssyncadd.tile.s32 @!p0 $0x1;
	_ =	shalt  }
.Lfunc_end2:
_tile_overlayer_lowered:
.L_overlay_start_2:
0xef: {  	(tag) =	ssettag $0x2  }
0xf0: {  	s0 =	rddreg [dreg:$0x0];
	s2 =	stileid.u32  }
0xf1: {  	s1 =	rddreg [dreg:$0x1];
	p0 =	sne.s32 s2, $0x0  }
0xf2: {  	s3 =	rddreg [dreg:$0x2];
	[bflag:$0x3] =	sbarrier.arrive $0xFFFF;
	s2 =	simm.s32 @!p0 $0x1C05  }
0xf3: {  	[timem:s3], [sflag:s2] =	dma.local @!p0 [hbm:s0], s1  }
0xf4: {  	s0 =	simm.s32 @!p0 $0x5  }
0xf5: {  	_ =	swait.ge @!p0 [sflag:s0], s1  }
0xf6: {  	s1 =	ssub.s32 @!p0 $0x0, s1;
	[sflag:s0] =	ssyncset.done @!p0 $0x0  }
0xf7: {  	[sflag:s0] =	ssyncadd.s32 @!p0 s1  }
0xf8: {  	[bflag:$0x3] =	sbarrier.arrive $0xFFFF  }
0xf9: {  	_ =	shalt  }

</sc_bundles>
